<compile_context>
chip_gen: v7x
topology: tpu7x:2x2x1
jax: 0.10.2.dev20260603
libtpu: 0.0.44.dev20260713+nightly
codegen_flags: <defaults>
</compile_context>

<pallas_src>
import functools

import jax
import jax.numpy as jnp
from jax import lax
from jax.experimental import pallas as pl
from jax.experimental.pallas import tpu as pltpu
from jax.experimental.pallas import tpu_sc as plsc

NUM_GROUPS = 32
MIN_COUNT = 10
NBINS = 2 * NUM_GROUPS
LANES = 16
NSUB = 16


def _side_stats(s_lo, s_hi, c_lo, c_hi):
    one = jnp.float32(1.0)
    zero = jnp.float32(0.0)
    onev = jnp.ones((16,), jnp.float32)
    zerov = jnp.zeros((16,), jnp.float32)
    inc_lo = c_lo >= jnp.float32(MIN_COUNT)
    inc_hi = c_hi >= jnp.float32(MIN_COUNT)
    avg_lo = s_lo / jnp.maximum(c_lo, onev)
    avg_hi = s_hi / jnp.maximum(c_hi, onev)
    n = (jnp.sum(jnp.where(inc_lo, one, zero))
         + jnp.sum(jnp.where(inc_hi, one, zero)))
    nv = jnp.full((16,), n, jnp.float32)
    ssum = (jnp.sum(jnp.where(inc_lo, avg_lo, zerov))
            + jnp.sum(jnp.where(inc_hi, avg_hi, zerov)))
    mean_v = jnp.full((16,), ssum, jnp.float32) / jnp.maximum(nv, onev)
    d_lo = avg_lo - mean_v
    d_hi = avg_hi - mean_v
    dsum = (jnp.sum(jnp.where(inc_lo, d_lo * d_lo, zerov))
            + jnp.sum(jnp.where(inc_hi, d_hi * d_hi, zerov)))
    var_v = (jnp.full((16,), dsum, jnp.float32)
             / jnp.maximum(nv - onev, onev))
    return var_v, n >= jnp.float32(2.0)


def _make_sc_call(batch):
    chunk = batch // NSUB
    nvec = chunk // LANES
    mesh = plsc.VectorSubcoreMesh(core_axis_name="c", subcore_axis_name="s",
                                  num_cores=1)

    @functools.partial(
        pl.kernel,
        mesh=mesh,
        out_type=jax.ShapeDtypeStruct((LANES,), jnp.float32),
        compiler_params=pltpu.CompilerParams(needs_layout_passes=False),
        scratch_types=[
            pltpu.VMEM((chunk,), jnp.float32),
            pltpu.VMEM((chunk,), jnp.int32),
            pltpu.VMEM((chunk,), jnp.int32),
            pltpu.VMEM((LANES * NBINS,), jnp.float32),
            pltpu.VMEM((LANES * NBINS,), jnp.float32),
            pltpu.VMEM((2 * NBINS,), jnp.float32),
            pltpu.VMEM((NSUB * 2 * NBINS,), jnp.float32),
            pltpu.VMEM((LANES,), jnp.float32),
            pltpu.VMEM_SHARED((NSUB * 2 * NBINS,), jnp.float32),
            pltpu.SemaphoreType.DMA,
            pltpu.SemaphoreType.DMA,
            pltpu.SemaphoreType.DMA,
        ],
    )
    def sc_loss(probs_hbm, labels_hbm, groups_hbm, out_hbm,
                pv, lv, gv, hsa, hca, tsc, rb, ov, sh,
                sem0, sem1, sem2):
        sid = lax.axis_index("s")
        lane = lax.iota(jnp.int32, LANES)
        zeros = jnp.zeros((LANES,), jnp.float32)
        ones = jnp.ones((LANES,), jnp.float32)
        nquart = NBINS // LANES

        base = sid * chunk
        cp0 = pltpu.make_async_copy(probs_hbm.at[pl.ds(base, chunk)], pv, sem0)
        cp1 = pltpu.make_async_copy(labels_hbm.at[pl.ds(base, chunk)], lv, sem1)
        cp2 = pltpu.make_async_copy(groups_hbm.at[pl.ds(base, chunk)], gv, sem2)
        cp0.start()
        cp1.start()
        cp2.start()

        for v in range(LANES * nquart):
            hsa[pl.ds(v * LANES, LANES)] = zeros
            hca[pl.ds(v * LANES, LANES)] = zeros

        cp0.wait()
        cp1.wait()
        cp2.wait()

        lane_off = lane * NBINS

        def step(i, carry):
            for u in range(4):
                off = (i * 4 + u) * LANES
                p = pv[pl.ds(off, LANES)]
                lb = lv[pl.ds(off, LANES)]
                g = gv[pl.ds(off, LANES)]
                slot = lane_off + g + lb * NUM_GROUPS
                plsc.addupdate_scatter(hsa, [slot], p)
                plsc.addupdate_scatter(hca, [slot], ones)
            return carry

        lax.fori_loop(0, nvec // 4, step, 0)

        for j in range(nquart):
            sacc = hsa[pl.ds(j * LANES, LANES)]
            cacc = hca[pl.ds(j * LANES, LANES)]
            for r in range(1, LANES):
                o = r * NBINS + j * LANES
                sacc = sacc + hsa[pl.ds(o, LANES)]
                cacc = cacc + hca[pl.ds(o, LANES)]
            tsc[pl.ds(j * LANES, LANES)] = sacc
            tsc[pl.ds(NBINS + j * LANES, LANES)] = cacc

        pltpu.make_async_copy(
            tsc, sh.at[pl.ds(sid * 2 * NBINS, 2 * NBINS)], sem0).start()
        pltpu.make_async_copy(
            tsc, sh.at[pl.ds(sid * 2 * NBINS, 2 * NBINS)], sem0).wait()

        plsc.subcore_barrier()

        @pl.when(sid == 0)
        def _():
            cbs = pltpu.make_async_copy(sh, rb, sem0)
            cbs.start()
            cbs.wait()
            svecs = []
            cvecs = []
            for j in range(nquart):
                sacc = rb[pl.ds(j * LANES, LANES)]
                cacc = rb[pl.ds(NBINS + j * LANES, LANES)]
                for k in range(1, NSUB):
                    o = k * 2 * NBINS + j * LANES
                    sacc = sacc + rb[pl.ds(o, LANES)]
                    cacc = cacc + rb[pl.ds(o + NBINS, LANES)]
                svecs.append(sacc)
                cvecs.append(cacc)
            neg_var, have_neg = _side_stats(svecs[0], svecs[1],
                                            cvecs[0], cvecs[1])
            pos_var, have_pos = _side_stats(svecs[2], svecs[3],
                                            cvecs[2], cvecs[3])
            zerov = jnp.zeros((LANES,), jnp.float32)
            loss_v = jnp.where(
                have_pos & have_neg,
                jnp.float32(0.5) * (pos_var + neg_var),
                jnp.where(have_pos, pos_var,
                          jnp.where(have_neg, neg_var, zerov)))
            ov[...] = loss_v
            pltpu.sync_copy(ov, out_hbm)

    return sc_loss


def kernel(probs, labels, groups, indices):
    del indices
    out = _make_sc_call(probs.shape[0])(probs, labels, groups)
    return out[0]

# --- scband reference (transcript-rebuilt; emitter-appended) ---
"""Pipeline reference for scband-dataset-score-matching-loss-40673340293719 (READ-ONLY COPY).

The authoritative reference and input builder live on the scoring server;
editing this copy changes nothing except your own understanding.
"""

import jax, jax.numpy as jnp
import numpy as np

DATASET_SIZE = 1000000
NUM_GROUPS = 32
MIN_COUNT = 10
B = 16384


def _group_var(score_buf, mask, group_buf):
    # per-group mean over masked entries; group included only if count >= MIN_COUNT
    seg = jnp.where(mask, group_buf, NUM_GROUPS).astype(jnp.int32)
    s = jax.ops.segment_sum(jnp.where(mask, score_buf, 0.0), seg, num_segments=NUM_GROUPS + 1)[:NUM_GROUPS]
    c = jax.ops.segment_sum(mask.astype(jnp.float32), seg, num_segments=NUM_GROUPS + 1)[:NUM_GROUPS]
    include = c >= MIN_COUNT
    avg = s / jnp.maximum(c, 1.0)
    n = jnp.sum(include.astype(jnp.float32))
    mean = jnp.sum(jnp.where(include, avg, 0.0)) / jnp.maximum(n, 1.0)
    # unbiased variance (ddof=1), matching torch.Tensor.var() default
    var = jnp.sum(jnp.where(include, (avg - mean) ** 2, 0.0)) / jnp.maximum(n - 1.0, 1.0)
    return var, n >= 2.0


def _loss(probs, labels, groups, indices):
    # scatter current batch into persistent dataset-sized buffers
    score_buf = jnp.zeros((DATASET_SIZE,), jnp.float32).at[indices].set(probs)
    label_buf = jnp.full((DATASET_SIZE,), -1, jnp.int32).at[indices].set(labels)
    group_buf = jnp.full((DATASET_SIZE,), -1, jnp.int32).at[indices].set(groups)
    # validity determined by sentinel ints (equivalent to ~isnan on score buffer,
    # since all three buffers are scattered at identical indices)
    valid = (label_buf >= 0) & (group_buf >= 0)
    pos_var, have_pos = _group_var(score_buf, valid & (label_buf == 1), group_buf)
    neg_var, have_neg = _group_var(score_buf, valid & (label_buf == 0), group_buf)
    loss = jnp.where(have_pos & have_neg, 0.5 * (pos_var + neg_var),
                     jnp.where(have_pos, pos_var,
                               jnp.where(have_neg, neg_var, jnp.float32(0.0))))
    return loss


def setup_inputs(seed: int = 0) -> dict:
    key = jax.random.key(seed)
    k1, k2, k3, k4 = jax.random.split(key, 4)
    probs = jax.random.uniform(k1, (B,), dtype=jnp.float32)
    labels = jax.random.randint(k2, (B,), 0, 2, dtype=jnp.int32)
    groups = jax.random.randint(k3, (B,), 0, NUM_GROUPS, dtype=jnp.int32)
    # unique dataset indices (avoids duplicate-scatter ordering ambiguity)
    indices = jax.random.permutation(k4, DATASET_SIZE)[:B].astype(jnp.int32)
    return {"probs": probs, "labels": labels, "groups": groups, "indices": indices}


def reference(probs, labels, groups, indices):
    return _loss(probs, labels, groups, indices)

if __name__ == "__main__":
    import jax
    _d = setup_inputs()
    print(jax.jit(kernel)(*tuple(_d.values())))

</pallas_src>

<mosaic_0001>
#map = affine_map<(d0, d1) -> (0)>
module attributes {stable_mosaic.version = 14 : i64} {
  func.func @sc_loss(%arg0: i32, %arg1: i32, %arg2: memref<16384xf32, #tpu.memory_space<hbm>>, %arg3: memref<16384xi32, #tpu.memory_space<hbm>>, %arg4: memref<16384xi32, #tpu.memory_space<hbm>>, %arg5: memref<16xf32, #tpu.memory_space<hbm>>, %arg6: memref<1024xf32, #tpu.memory_space<vmem>>, %arg7: memref<1024xi32, #tpu.memory_space<vmem>>, %arg8: memref<1024xi32, #tpu.memory_space<vmem>>, %arg9: memref<1024xf32, #tpu.memory_space<vmem>>, %arg10: memref<1024xf32, #tpu.memory_space<vmem>>, %arg11: memref<128xf32, #tpu.memory_space<vmem>>, %arg12: memref<2048xf32, #tpu.memory_space<vmem>>, %arg13: memref<16xf32, #tpu.memory_space<vmem>>, %arg14: memref<2048xf32, #tpu.memory_space<vmem_shared>>, %arg15: memref<!tpu.dma_semaphore, #tpu.memory_space<semaphore_mem>>, %arg16: memref<!tpu.dma_semaphore, #tpu.memory_space<semaphore_mem>>, %arg17: memref<!tpu.dma_semaphore, #tpu.memory_space<semaphore_mem>>) attributes {dimension_semantics = [#tpu.dimension_semantics<core_parallel>, #tpu.dimension_semantics<subcore_parallel>], iteration_bounds = array<i64: 1, 16>, scalar_prefetch = 0 : i64, scratch_operands = 12 : i64, tpu.core_type = #tpu.core_type<sc_vector_subcore>, window_params = [{transform_indices = #map}, {transform_indices = #map}, {transform_indices = #map}, {transform_indices = #map}]} {
    %iota3A = tpu.iota {dimensions = array<i32: 0>} : vector<16xi32>
    %broadcast_in_dim3A = arith.constant 0.000000e+00 : f32
    %broadcast_in_dim3A_0 = vector.broadcast %broadcast_in_dim3A : f32 to vector<16xf32>
    %broadcast_in_dim3A_1 = arith.constant 1.000000e+00 : f32
    %broadcast_in_dim3A_2 = vector.broadcast %broadcast_in_dim3A_1 : f32 to vector<16xf32>
    %mul3A = arith.constant 1024 : i32
    %mul3A_3 = arith.muli %arg1, %mul3A : i32
    %dma_start3A = tpu.memref_slice %arg2[%mul3A_3] : memref<16384xf32, #tpu.memory_space<hbm>> -> memref<1024xf32, #tpu.memory_space<hbm>>
    %dma_start3A_4 = tpu.memref_slice %arg2[%mul3A_3] : memref<16384xf32, #tpu.memory_space<hbm>> -> memref<1024xf32, #tpu.memory_space<hbm>>
    tpu.enqueue_dma source(%dma_start3A_4 : memref<1024xf32, #tpu.memory_space<hbm>>) target(%arg6 : memref<1024xf32, #tpu.memory_space<vmem>>) target_semaphore(%arg15 : memref<!tpu.dma_semaphore, #tpu.memory_space<semaphore_mem>>)
    %dma_start3A_5 = tpu.memref_slice %arg3[%mul3A_3] : memref<16384xi32, #tpu.memory_space<hbm>> -> memref<1024xi32, #tpu.memory_space<hbm>>
    %dma_start3A_6 = tpu.memref_slice %arg3[%mul3A_3] : memref<16384xi32, #tpu.memory_space<hbm>> -> memref<1024xi32, #tpu.memory_space<hbm>>
    tpu.enqueue_dma source(%dma_start3A_6 : memref<1024xi32, #tpu.memory_space<hbm>>) target(%arg7 : memref<1024xi32, #tpu.memory_space<vmem>>) target_semaphore(%arg16 : memref<!tpu.dma_semaphore, #tpu.memory_space<semaphore_mem>>)
    %dma_start3A_7 = tpu.memref_slice %arg4[%mul3A_3] : memref<16384xi32, #tpu.memory_space<hbm>> -> memref<1024xi32, #tpu.memory_space<hbm>>
    %dma_start3A_8 = tpu.memref_slice %arg4[%mul3A_3] : memref<16384xi32, #tpu.memory_space<hbm>> -> memref<1024xi32, #tpu.memory_space<hbm>>
    tpu.enqueue_dma source(%dma_start3A_8 : memref<1024xi32, #tpu.memory_space<hbm>>) target(%arg8 : memref<1024xi32, #tpu.memory_space<vmem>>) target_semaphore(%arg17 : memref<!tpu.dma_semaphore, #tpu.memory_space<semaphore_mem>>)
    %swap3A = arith.constant 0 : index
    %swap3A_9 = tpu.vector_load %arg9[%swap3A] {strides = array<i32>} : memref<1024xf32, #tpu.memory_space<vmem>>, vector<16xf32>,
    tpu.vector_store %arg9[%swap3A], %broadcast_in_dim3A_0 {strides = array<i32>} : memref<1024xf32, #tpu.memory_space<vmem>>, vector<16xf32>,
    %swap3A_10 = arith.constant 0 : index
    %swap3A_11 = tpu.vector_load %arg10[%swap3A_10] {strides = array<i32>} : memref<1024xf32, #tpu.memory_space<vmem>>, vector<16xf32>,
    tpu.vector_store %arg10[%swap3A_10], %broadcast_in_dim3A_0 {strides = array<i32>} : memref<1024xf32, #tpu.memory_space<vmem>>, vector<16xf32>,
    %swap3A_12 = arith.constant 16 : index
    %swap3A_13 = tpu.vector_load %arg9[%swap3A_12] {strides = array<i32>} : memref<1024xf32, #tpu.memory_space<vmem>>, vector<16xf32>,
    tpu.vector_store %arg9[%swap3A_12], %broadcast_in_dim3A_0 {strides = array<i32>} : memref<1024xf32, #tpu.memory_space<vmem>>, vector<16xf32>,
    %swap3A_14 = arith.constant 16 : index
    %swap3A_15 = tpu.vector_load %arg10[%swap3A_14] {strides = array<i32>} : memref<1024xf32, #tpu.memory_space<vmem>>, vector<16xf32>,
    tpu.vector_store %arg10[%swap3A_14], %broadcast_in_dim3A_0 {strides = array<i32>} : memref<1024xf32, #tpu.memory_space<vmem>>, vector<16xf32>,
    %swap3A_16 = arith.constant 32 : index
    %swap3A_17 = tpu.vector_load %arg9[%swap3A_16] {strides = array<i32>} : memref<1024xf32, #tpu.memory_space<vmem>>, vector<16xf32>,
    tpu.vector_store %arg9[%swap3A_16], %broadcast_in_dim3A_0 {strides = array<i32>} : memref<1024xf32, #tpu.memory_space<vmem>>, vector<16xf32>,
    %swap3A_18 = arith.constant 32 : index
    %swap3A_19 = tpu.vector_load %arg10[%swap3A_18] {strides = array<i32>} : memref<1024xf32, #tpu.memory_space<vmem>>, vector<16xf32>,
    tpu.vector_store %arg10[%swap3A_18], %broadcast_in_dim3A_0 {strides = array<i32>} : memref<1024xf32, #tpu.memory_space<vmem>>, vector<16xf32>,
    %swap3A_20 = arith.constant 48 : index
    %swap3A_21 = tpu.vector_load %arg9[%swap3A_20] {strides = array<i32>} : memref<1024xf32, #tpu.memory_space<vmem>>, vector<16xf32>,
    tpu.vector_store %arg9[%swap3A_20], %broadcast_in_dim3A_0 {strides = array<i32>} : memref<1024xf32, #tpu.memory_space<vmem>>, vector<16xf32>,
    %swap3A_22 = arith.constant 48 : index
    %swap3A_23 = tpu.vector_load %arg10[%swap3A_22] {strides = array<i32>} : memref<1024xf32, #tpu.memory_space<vmem>>, vector<16xf32>,
    tpu.vector_store %arg10[%swap3A_22], %broadcast_in_dim3A_0 {strides = array<i32>} : memref<1024xf32, #tpu.memory_space<vmem>>, vector<16xf32>,
    %swap3A_24 = arith.constant 64 : index
    %swap3A_25 = tpu.vector_load %arg9[%swap3A_24] {strides = array<i32>} : memref<1024xf32, #tpu.memory_space<vmem>>, vector<16xf32>,
    tpu.vector_store %arg9[%swap3A_24], %broadcast_in_dim3A_0 {strides = array<i32>} : memref<1024xf32, #tpu.memory_space<vmem>>, vector<16xf32>,
    %swap3A_26 = arith.constant 64 : index
    %swap3A_27 = tpu.vector_load %arg10[%swap3A_26] {strides = array<i32>} : memref<1024xf32, #tpu.memory_space<vmem>>, vector<16xf32>,
    tpu.vector_store %arg10[%swap3A_26], %broadcast_in_dim3A_0 {strides = array<i32>} : memref<1024xf32, #tpu.memory_space<vmem>>, vector<16xf32>,
    %swap3A_28 = arith.constant 80 : index
    %swap3A_29 = tpu.vector_load %arg9[%swap3A_28] {strides = array<i32>} : memref<1024xf32, #tpu.memory_space<vmem>>, vector<16xf32>,
    tpu.vector_store %arg9[%swap3A_28], %broadcast_in_dim3A_0 {strides = array<i32>} : memref<1024xf32, #tpu.memory_space<vmem>>, vector<16xf32>,
    %swap3A_30 = arith.constant 80 : index
    %swap3A_31 = tpu.vector_load %arg10[%swap3A_30] {strides = array<i32>} : memref<1024xf32, #tpu.memory_space<vmem>>, vector<16xf32>,
    tpu.vector_store %arg10[%swap3A_30], %broadcast_in_dim3A_0 {strides = array<i32>} : memref<1024xf32, #tpu.memory_space<vmem>>, vector<16xf32>,
    %swap3A_32 = arith.constant 96 : index
    %swap3A_33 = tpu.vector_load %arg9[%swap3A_32] {strides = array<i32>} : memref<1024xf32, #tpu.memory_space<vmem>>, vector<16xf32>,
    tpu.vector_store %arg9[%swap3A_32], %broadcast_in_dim3A_0 {strides = array<i32>} : memref<1024xf32, #tpu.memory_space<vmem>>, vector<16xf32>,
    %swap3A_34 = arith.constant 96 : index
    %swap3A_35 = tpu.vector_load %arg10[%swap3A_34] {strides = array<i32>} : memref<1024xf32, #tpu.memory_space<vmem>>, vector<16xf32>,
    tpu.vector_store %arg10[%swap3A_34], %broadcast_in_dim3A_0 {strides = array<i32>} : memref<1024xf32, #tpu.memory_space<vmem>>, vector<16xf32>,
    %swap3A_36 = arith.constant 112 : index
    %swap3A_37 = tpu.vector_load %arg9[%swap3A_36] {strides = array<i32>} : memref<1024xf32, #tpu.memory_space<vmem>>, vector<16xf32>,
    tpu.vector_store %arg9[%swap3A_36], %broadcast_in_dim3A_0 {strides = array<i32>} : memref<1024xf32, #tpu.memory_space<vmem>>, vector<16xf32>,
    %swap3A_38 = arith.constant 112 : index
    %swap3A_39 = tpu.vector_load %arg10[%swap3A_38] {strides = array<i32>} : memref<1024xf32, #tpu.memory_space<vmem>>, vector<16xf32>,
    tpu.vector_store %arg10[%swap3A_38], %broadcast_in_dim3A_0 {strides = array<i32>} : memref<1024xf32, #tpu.memory_space<vmem>>, vector<16xf32>,
    %swap3A_40 = arith.constant 128 : index
    %swap3A_41 = tpu.vector_load %arg9[%swap3A_40] {strides = array<i32>} : memref<1024xf32, #tpu.memory_space<vmem>>, vector<16xf32>,
    tpu.vector_store %arg9[%swap3A_40], %broadcast_in_dim3A_0 {strides = array<i32>} : memref<1024xf32, #tpu.memory_space<vmem>>, vector<16xf32>,
    %swap3A_42 = arith.constant 128 : index
    %swap3A_43 = tpu.vector_load %arg10[%swap3A_42] {strides = array<i32>} : memref<1024xf32, #tpu.memory_space<vmem>>, vector<16xf32>,
    tpu.vector_store %arg10[%swap3A_42], %broadcast_in_dim3A_0 {strides = array<i32>} : memref<1024xf32, #tpu.memory_space<vmem>>, vector<16xf32>,
    %swap3A_44 = arith.constant 144 : index
    %swap3A_45 = tpu.vector_load %arg9[%swap3A_44] {strides = array<i32>} : memref<1024xf32, #tpu.memory_space<vmem>>, vector<16xf32>,
    tpu.vector_store %arg9[%swap3A_44], %broadcast_in_dim3A_0 {strides = array<i32>} : memref<1024xf32, #tpu.memory_space<vmem>>, vector<16xf32>,
    %swap3A_46 = arith.constant 144 : index
    %swap3A_47 = tpu.vector_load %arg10[%swap3A_46] {strides = array<i32>} : memref<1024xf32, #tpu.memory_space<vmem>>, vector<16xf32>,
    tpu.vector_store %arg10[%swap3A_46], %broadcast_in_dim3A_0 {strides = array<i32>} : memref<1024xf32, #tpu.memory_space<vmem>>, vector<16xf32>,
    %swap3A_48 = arith.constant 160 : index
    %swap3A_49 = tpu.vector_load %arg9[%swap3A_48] {strides = array<i32>} : memref<1024xf32, #tpu.memory_space<vmem>>, vector<16xf32>,
    tpu.vector_store %arg9[%swap3A_48], %broadcast_in_dim3A_0 {strides = array<i32>} : memref<1024xf32, #tpu.memory_space<vmem>>, vector<16xf32>,
    %swap3A_50 = arith.constant 160 : index
    %swap3A_51 = tpu.vector_load %arg10[%swap3A_50] {strides = array<i32>} : memref<1024xf32, #tpu.memory_space<vmem>>, vector<16xf32>,
    tpu.vector_store %arg10[%swap3A_50], %broadcast_in_dim3A_0 {strides = array<i32>} : memref<1024xf32, #tpu.memory_space<vmem>>, vector<16xf32>,
    %swap3A_52 = arith.constant 176 : index
    %swap3A_53 = tpu.vector_load %arg9[%swap3A_52] {strides = array<i32>} : memref<1024xf32, #tpu.memory_space<vmem>>, vector<16xf32>,
    tpu.vector_store %arg9[%swap3A_52], %broadcast_in_dim3A_0 {strides = array<i32>} : memref<1024xf32, #tpu.memory_space<vmem>>, vector<16xf32>,
    %swap3A_54 = arith.constant 176 : index
    %swap3A_55 = tpu.vector_load %arg10[%swap3A_54] {strides = array<i32>} : memref<1024xf32, #tpu.memory_space<vmem>>, vector<16xf32>,
    tpu.vector_store %arg10[%swap3A_54], %broadcast_in_dim3A_0 {strides = array<i32>} : memref<1024xf32, #tpu.memory_space<vmem>>, vector<16xf32>,
    %swap3A_56 = arith.constant 192 : index
    %swap3A_57 = tpu.vector_load %arg9[%swap3A_56] {strides = array<i32>} : memref<1024xf32, #tpu.memory_space<vmem>>, vector<16xf32>,
    tpu.vector_store %arg9[%swap3A_56], %broadcast_in_dim3A_0 {strides = array<i32>} : memref<1024xf32, #tpu.memory_space<vmem>>, vector<16xf32>,
    %swap3A_58 = arith.constant 192 : index
    %swap3A_59 = tpu.vector_load %arg10[%swap3A_58] {strides = array<i32>} : memref<1024xf32, #tpu.memory_space<vmem>>, vector<16xf32>,
    tpu.vector_store %arg10[%swap3A_58], %broadcast_in_dim3A_0 {strides = array<i32>} : memref<1024xf32, #tpu.memory_space<vmem>>, vector<16xf32>,
    %swap3A_60 = arith.constant 208 : index
    %swap3A_61 = tpu.vector_load %arg9[%swap3A_60] {strides = array<i32>} : memref<1024xf32, #tpu.memory_space<vmem>>, vector<16xf32>,
    tpu.vector_store %arg9[%swap3A_60], %broadcast_in_dim3A_0 {strides = array<i32>} : memref<1024xf32, #tpu.memory_space<vmem>>, vector<16xf32>,
    %swap3A_62 = arith.constant 208 : index
    %swap3A_63 = tpu.vector_load %arg10[%swap3A_62] {strides = array<i32>} : memref<1024xf32, #tpu.memory_space<vmem>>, vector<16xf32>,
    tpu.vector_store %arg10[%swap3A_62], %broadcast_in_dim3A_0 {strides = array<i32>} : memref<1024xf32, #tpu.memory_space<vmem>>, vector<16xf32>,
    %swap3A_64 = arith.constant 224 : index
    %swap3A_65 = tpu.vector_load %arg9[%swap3A_64] {strides = array<i32>} : memref<1024xf32, #tpu.memory_space<vmem>>, vector<16xf32>,
    tpu.vector_store %arg9[%swap3A_64], %broadcast_in_dim3A_0 {strides = array<i32>} : memref<1024xf32, #tpu.memory_space<vmem>>, vector<16xf32>,
    %swap3A_66 = arith.constant 224 : index
    %swap3A_67 = tpu.vector_load %arg10[%swap3A_66] {strides = array<i32>} : memref<1024xf32, #tpu.memory_space<vmem>>, vector<16xf32>,
    tpu.vector_store %arg10[%swap3A_66], %broadcast_in_dim3A_0 {strides = array<i32>} : memref<1024xf32, #tpu.memory_space<vmem>>, vector<16xf32>,
    %swap3A_68 = arith.constant 240 : index
    %swap3A_69 = tpu.vector_load %arg9[%swap3A_68] {strides = array<i32>} : memref<1024xf32, #tpu.memory_space<vmem>>, vector<16xf32>,
    tpu.vector_store %arg9[%swap3A_68], %broadcast_in_dim3A_0 {strides = array<i32>} : memref<1024xf32, #tpu.memory_space<vmem>>, vector<16xf32>,
    %swap3A_70 = arith.constant 240 : index
    %swap3A_71 = tpu.vector_load %arg10[%swap3A_70] {strides = array<i32>} : memref<1024xf32, #tpu.memory_space<vmem>>, vector<16xf32>,
    tpu.vector_store %arg10[%swap3A_70], %broadcast_in_dim3A_0 {strides = array<i32>} : memref<1024xf32, #tpu.memory_space<vmem>>, vector<16xf32>,
    %swap3A_72 = arith.constant 256 : index
    %swap3A_73 = tpu.vector_load %arg9[%swap3A_72] {strides = array<i32>} : memref<1024xf32, #tpu.memory_space<vmem>>, vector<16xf32>,
    tpu.vector_store %arg9[%swap3A_72], %broadcast_in_dim3A_0 {strides = array<i32>} : memref<1024xf32, #tpu.memory_space<vmem>>, vector<16xf32>,
    %swap3A_74 = arith.constant 256 : index
    %swap3A_75 = tpu.vector_load %arg10[%swap3A_74] {strides = array<i32>} : memref<1024xf32, #tpu.memory_space<vmem>>, vector<16xf32>,
    tpu.vector_store %arg10[%swap3A_74], %broadcast_in_dim3A_0 {strides = array<i32>} : memref<1024xf32, #tpu.memory_space<vmem>>, vector<16xf32>,
    %swap3A_76 = arith.constant 272 : index
    %swap3A_77 = tpu.vector_load %arg9[%swap3A_76] {strides = array<i32>} : memref<1024xf32, #tpu.memory_space<vmem>>, vector<16xf32>,
    tpu.vector_store %arg9[%swap3A_76], %broadcast_in_dim3A_0 {strides = array<i32>} : memref<1024xf32, #tpu.memory_space<vmem>>, vector<16xf32>,
    %swap3A_78 = arith.constant 272 : index
    %swap3A_79 = tpu.vector_load %arg10[%swap3A_78] {strides = array<i32>} : memref<1024xf32, #tpu.memory_space<vmem>>, vector<16xf32>,
    tpu.vector_store %arg10[%swap3A_78], %broadcast_in_dim3A_0 {strides = array<i32>} : memref<1024xf32, #tpu.memory_space<vmem>>, vector<16xf32>,
    %swap3A_80 = arith.constant 288 : index
    %swap3A_81 = tpu.vector_load %arg9[%swap3A_80] {strides = array<i32>} : memref<1024xf32, #tpu.memory_space<vmem>>, vector<16xf32>,
    tpu.vector_store %arg9[%swap3A_80], %broadcast_in_dim3A_0 {strides = array<i32>} : memref<1024xf32, #tpu.memory_space<vmem>>, vector<16xf32>,
    %swap3A_82 = arith.constant 288 : index
    %swap3A_83 = tpu.vector_load %arg10[%swap3A_82] {strides = array<i32>} : memref<1024xf32, #tpu.memory_space<vmem>>, vector<16xf32>,
    tpu.vector_store %arg10[%swap3A_82], %broadcast_in_dim3A_0 {strides = array<i32>} : memref<1024xf32, #tpu.memory_space<vmem>>, vector<16xf32>,
    %swap3A_84 = arith.constant 304 : index
    %swap3A_85 = tpu.vector_load %arg9[%swap3A_84] {strides = array<i32>} : memref<1024xf32, #tpu.memory_space<vmem>>, vector<16xf32>,
    tpu.vector_store %arg9[%swap3A_84], %broadcast_in_dim3A_0 {strides = array<i32>} : memref<1024xf32, #tpu.memory_space<vmem>>, vector<16xf32>,
    %swap3A_86 = arith.constant 304 : index
    %swap3A_87 = tpu.vector_load %arg10[%swap3A_86] {strides = array<i32>} : memref<1024xf32, #tpu.memory_space<vmem>>, vector<16xf32>,
    tpu.vector_store %arg10[%swap3A_86], %broadcast_in_dim3A_0 {strides = array<i32>} : memref<1024xf32, #tpu.memory_space<vmem>>, vector<16xf32>,
    %swap3A_88 = arith.constant 320 : index
    %swap3A_89 = tpu.vector_load %arg9[%swap3A_88] {strides = array<i32>} : memref<1024xf32, #tpu.memory_space<vmem>>, vector<16xf32>,
    tpu.vector_store %arg9[%swap3A_88], %broadcast_in_dim3A_0 {strides = array<i32>} : memref<1024xf32, #tpu.memory_space<vmem>>, vector<16xf32>,
    %swap3A_90 = arith.constant 320 : index
    %swap3A_91 = tpu.vector_load %arg10[%swap3A_90] {strides = array<i32>} : memref<1024xf32, #tpu.memory_space<vmem>>, vector<16xf32>,
    tpu.vector_store %arg10[%swap3A_90], %broadcast_in_dim3A_0 {strides = array<i32>} : memref<1024xf32, #tpu.memory_space<vmem>>, vector<16xf32>,
    %swap3A_92 = arith.constant 336 : index
    %swap3A_93 = tpu.vector_load %arg9[%swap3A_92] {strides = array<i32>} : memref<1024xf32, #tpu.memory_space<vmem>>, vector<16xf32>,
    tpu.vector_store %arg9[%swap3A_92], %broadcast_in_dim3A_0 {strides = array<i32>} : memref<1024xf32, #tpu.memory_space<vmem>>, vector<16xf32>,
    %swap3A_94 = arith.constant 336 : index
    %swap3A_95 = tpu.vector_load %arg10[%swap3A_94] {strides = array<i32>} : memref<1024xf32, #tpu.memory_space<vmem>>, vector<16xf32>,
    tpu.vector_store %arg10[%swap3A_94], %broadcast_in_dim3A_0 {strides = array<i32>} : memref<1024xf32, #tpu.memory_space<vmem>>, vector<16xf32>,
    %swap3A_96 = arith.constant 352 : index
    %swap3A_97 = tpu.vector_load %arg9[%swap3A_96] {strides = array<i32>} : memref<1024xf32, #tpu.memory_space<vmem>>, vector<16xf32>,
    tpu.vector_store %arg9[%swap3A_96], %broadcast_in_dim3A_0 {strides = array<i32>} : memref<1024xf32, #tpu.memory_space<vmem>>, vector<16xf32>,
    %swap3A_98 = arith.constant 352 : index
    %swap3A_99 = tpu.vector_load %arg10[%swap3A_98] {strides = array<i32>} : memref<1024xf32, #tpu.memory_space<vmem>>, vector<16xf32>,
    tpu.vector_store %arg10[%swap3A_98], %broadcast_in_dim3A_0 {strides = array<i32>} : memref<1024xf32, #tpu.memory_space<vmem>>, vector<16xf32>,
    %swap3A_100 = arith.constant 368 : index
    %swap3A_101 = tpu.vector_load %arg9[%swap3A_100] {strides = array<i32>} : memref<1024xf32, #tpu.memory_space<vmem>>, vector<16xf32>,
    tpu.vector_store %arg9[%swap3A_100], %broadcast_in_dim3A_0 {strides = array<i32>} : memref<1024xf32, #tpu.memory_space<vmem>>, vector<16xf32>,
    %swap3A_102 = arith.constant 368 : index
    %swap3A_103 = tpu.vector_load %arg10[%swap3A_102] {strides = array<i32>} : memref<1024xf32, #tpu.memory_space<vmem>>, vector<16xf32>,
    tpu.vector_store %arg10[%swap3A_102], %broadcast_in_dim3A_0 {strides = array<i32>} : memref<1024xf32, #tpu.memory_space<vmem>>, vector<16xf32>,
    %swap3A_104 = arith.constant 384 : index
    %swap3A_105 = tpu.vector_load %arg9[%swap3A_104] {strides = array<i32>} : memref<1024xf32, #tpu.memory_space<vmem>>, vector<16xf32>,
    tpu.vector_store %arg9[%swap3A_104], %broadcast_in_dim3A_0 {strides = array<i32>} : memref<1024xf32, #tpu.memory_space<vmem>>, vector<16xf32>,
    %swap3A_106 = arith.constant 384 : index
    %swap3A_107 = tpu.vector_load %arg10[%swap3A_106] {strides = array<i32>} : memref<1024xf32, #tpu.memory_space<vmem>>, vector<16xf32>,
    tpu.vector_store %arg10[%swap3A_106], %broadcast_in_dim3A_0 {strides = array<i32>} : memref<1024xf32, #tpu.memory_space<vmem>>, vector<16xf32>,
    %swap3A_108 = arith.constant 400 : index
    %swap3A_109 = tpu.vector_load %arg9[%swap3A_108] {strides = array<i32>} : memref<1024xf32, #tpu.memory_space<vmem>>, vector<16xf32>,
    tpu.vector_store %arg9[%swap3A_108], %broadcast_in_dim3A_0 {strides = array<i32>} : memref<1024xf32, #tpu.memory_space<vmem>>, vector<16xf32>,
    %swap3A_110 = arith.constant 400 : index
    %swap3A_111 = tpu.vector_load %arg10[%swap3A_110] {strides = array<i32>} : memref<1024xf32, #tpu.memory_space<vmem>>, vector<16xf32>,
    tpu.vector_store %arg10[%swap3A_110], %broadcast_in_dim3A_0 {strides = array<i32>} : memref<1024xf32, #tpu.memory_space<vmem>>, vector<16xf32>,
    %swap3A_112 = arith.constant 416 : index
    %swap3A_113 = tpu.vector_load %arg9[%swap3A_112] {strides = array<i32>} : memref<1024xf32, #tpu.memory_space<vmem>>, vector<16xf32>,
    tpu.vector_store %arg9[%swap3A_112], %broadcast_in_dim3A_0 {strides = array<i32>} : memref<1024xf32, #tpu.memory_space<vmem>>, vector<16xf32>,
    %swap3A_114 = arith.constant 416 : index
    %swap3A_115 = tpu.vector_load %arg10[%swap3A_114] {strides = array<i32>} : memref<1024xf32, #tpu.memory_space<vmem>>, vector<16xf32>,
    tpu.vector_store %arg10[%swap3A_114], %broadcast_in_dim3A_0 {strides = array<i32>} : memref<1024xf32, #tpu.memory_space<vmem>>, vector<16xf32>,
    %swap3A_116 = arith.constant 432 : index
    %swap3A_117 = tpu.vector_load %arg9[%swap3A_116] {strides = array<i32>} : memref<1024xf32, #tpu.memory_space<vmem>>, vector<16xf32>,
    tpu.vector_store %arg9[%swap3A_116], %broadcast_in_dim3A_0 {strides = array<i32>} : memref<1024xf32, #tpu.memory_space<vmem>>, vector<16xf32>,
    %swap3A_118 = arith.constant 432 : index
    %swap3A_119 = tpu.vector_load %arg10[%swap3A_118] {strides = array<i32>} : memref<1024xf32, #tpu.memory_space<vmem>>, vector<16xf32>,
    tpu.vector_store %arg10[%swap3A_118], %broadcast_in_dim3A_0 {strides = array<i32>} : memref<1024xf32, #tpu.memory_space<vmem>>, vector<16xf32>,
    %swap3A_120 = arith.constant 448 : index
    %swap3A_121 = tpu.vector_load %arg9[%swap3A_120] {strides = array<i32>} : memref<1024xf32, #tpu.memory_space<vmem>>, vector<16xf32>,
    tpu.vector_store %arg9[%swap3A_120], %broadcast_in_dim3A_0 {strides = array<i32>} : memref<1024xf32, #tpu.memory_space<vmem>>, vector<16xf32>,
    %swap3A_122 = arith.constant 448 : index
    %swap3A_123 = tpu.vector_load %arg10[%swap3A_122] {strides = array<i32>} : memref<1024xf32, #tpu.memory_space<vmem>>, vector<16xf32>,
    tpu.vector_store %arg10[%swap3A_122], %broadcast_in_dim3A_0 {strides = array<i32>} : memref<1024xf32, #tpu.memory_space<vmem>>, vector<16xf32>,
    %swap3A_124 = arith.constant 464 : index
    %swap3A_125 = tpu.vector_load %arg9[%swap3A_124] {strides = array<i32>} : memref<1024xf32, #tpu.memory_space<vmem>>, vector<16xf32>,
    tpu.vector_store %arg9[%swap3A_124], %broadcast_in_dim3A_0 {strides = array<i32>} : memref<1024xf32, #tpu.memory_space<vmem>>, vector<16xf32>,
    %swap3A_126 = arith.constant 464 : index
    %swap3A_127 = tpu.vector_load %arg10[%swap3A_126] {strides = array<i32>} : memref<1024xf32, #tpu.memory_space<vmem>>, vector<16xf32>,
    tpu.vector_store %arg10[%swap3A_126], %broadcast_in_dim3A_0 {strides = array<i32>} : memref<1024xf32, #tpu.memory_space<vmem>>, vector<16xf32>,
    %swap3A_128 = arith.constant 480 : index
    %swap3A_129 = tpu.vector_load %arg9[%swap3A_128] {strides = array<i32>} : memref<1024xf32, #tpu.memory_space<vmem>>, vector<16xf32>,
    tpu.vector_store %arg9[%swap3A_128], %broadcast_in_dim3A_0 {strides = array<i32>} : memref<1024xf32, #tpu.memory_space<vmem>>, vector<16xf32>,
    %swap3A_130 = arith.constant 480 : index
    %swap3A_131 = tpu.vector_load %arg10[%swap3A_130] {strides = array<i32>} : memref<1024xf32, #tpu.memory_space<vmem>>, vector<16xf32>,
    tpu.vector_store %arg10[%swap3A_130], %broadcast_in_dim3A_0 {strides = array<i32>} : memref<1024xf32, #tpu.memory_space<vmem>>, vector<16xf32>,
    %swap3A_132 = arith.constant 496 : index
    %swap3A_133 = tpu.vector_load %arg9[%swap3A_132] {strides = array<i32>} : memref<1024xf32, #tpu.memory_space<vmem>>, vector<16xf32>,
    tpu.vector_store %arg9[%swap3A_132], %broadcast_in_dim3A_0 {strides = array<i32>} : memref<1024xf32, #tpu.memory_space<vmem>>, vector<16xf32>,
    %swap3A_134 = arith.constant 496 : index
    %swap3A_135 = tpu.vector_load %arg10[%swap3A_134] {strides = array<i32>} : memref<1024xf32, #tpu.memory_space<vmem>>, vector<16xf32>,
    tpu.vector_store %arg10[%swap3A_134], %broadcast_in_dim3A_0 {strides = array<i32>} : memref<1024xf32, #tpu.memory_space<vmem>>, vector<16xf32>,
    %swap3A_136 = arith.constant 512 : index
    %swap3A_137 = tpu.vector_load %arg9[%swap3A_136] {strides = array<i32>} : memref<1024xf32, #tpu.memory_space<vmem>>, vector<16xf32>,
    tpu.vector_store %arg9[%swap3A_136], %broadcast_in_dim3A_0 {strides = array<i32>} : memref<1024xf32, #tpu.memory_space<vmem>>, vector<16xf32>,
    %swap3A_138 = arith.constant 512 : index
    %swap3A_139 = tpu.vector_load %arg10[%swap3A_138] {strides = array<i32>} : memref<1024xf32, #tpu.memory_space<vmem>>, vector<16xf32>,
    tpu.vector_store %arg10[%swap3A_138], %broadcast_in_dim3A_0 {strides = array<i32>} : memref<1024xf32, #tpu.memory_space<vmem>>, vector<16xf32>,
    %swap3A_140 = arith.constant 528 : index
    %swap3A_141 = tpu.vector_load %arg9[%swap3A_140] {strides = array<i32>} : memref<1024xf32, #tpu.memory_space<vmem>>, vector<16xf32>,
    tpu.vector_store %arg9[%swap3A_140], %broadcast_in_dim3A_0 {strides = array<i32>} : memref<1024xf32, #tpu.memory_space<vmem>>, vector<16xf32>,
    %swap3A_142 = arith.constant 528 : index
    %swap3A_143 = tpu.vector_load %arg10[%swap3A_142] {strides = array<i32>} : memref<1024xf32, #tpu.memory_space<vmem>>, vector<16xf32>,
    tpu.vector_store %arg10[%swap3A_142], %broadcast_in_dim3A_0 {strides = array<i32>} : memref<1024xf32, #tpu.memory_space<vmem>>, vector<16xf32>,
    %swap3A_144 = arith.constant 544 : index
    %swap3A_145 = tpu.vector_load %arg9[%swap3A_144] {strides = array<i32>} : memref<1024xf32, #tpu.memory_space<vmem>>, vector<16xf32>,
    tpu.vector_store %arg9[%swap3A_144], %broadcast_in_dim3A_0 {strides = array<i32>} : memref<1024xf32, #tpu.memory_space<vmem>>, vector<16xf32>,
    %swap3A_146 = arith.constant 544 : index
    %swap3A_147 = tpu.vector_load %arg10[%swap3A_146] {strides = array<i32>} : memref<1024xf32, #tpu.memory_space<vmem>>, vector<16xf32>,
    tpu.vector_store %arg10[%swap3A_146], %broadcast_in_dim3A_0 {strides = array<i32>} : memref<1024xf32, #tpu.memory_space<vmem>>, vector<16xf32>,
    %swap3A_148 = arith.constant 560 : index
    %swap3A_149 = tpu.vector_load %arg9[%swap3A_148] {strides = array<i32>} : memref<1024xf32, #tpu.memory_space<vmem>>, vector<16xf32>,
    tpu.vector_store %arg9[%swap3A_148], %broadcast_in_dim3A_0 {strides = array<i32>} : memref<1024xf32, #tpu.memory_space<vmem>>, vector<16xf32>,
    %swap3A_150 = arith.constant 560 : index
    %swap3A_151 = tpu.vector_load %arg10[%swap3A_150] {strides = array<i32>} : memref<1024xf32, #tpu.memory_space<vmem>>, vector<16xf32>,
    tpu.vector_store %arg10[%swap3A_150], %broadcast_in_dim3A_0 {strides = array<i32>} : memref<1024xf32, #tpu.memory_space<vmem>>, vector<16xf32>,
    %swap3A_152 = arith.constant 576 : index
    %swap3A_153 = tpu.vector_load %arg9[%swap3A_152] {strides = array<i32>} : memref<1024xf32, #tpu.memory_space<vmem>>, vector<16xf32>,
    tpu.vector_store %arg9[%swap3A_152], %broadcast_in_dim3A_0 {strides = array<i32>} : memref<1024xf32, #tpu.memory_space<vmem>>, vector<16xf32>,
    %swap3A_154 = arith.constant 576 : index
    %swap3A_155 = tpu.vector_load %arg10[%swap3A_154] {strides = array<i32>} : memref<1024xf32, #tpu.memory_space<vmem>>, vector<16xf32>,
    tpu.vector_store %arg10[%swap3A_154], %broadcast_in_dim3A_0 {strides = array<i32>} : memref<1024xf32, #tpu.memory_space<vmem>>, vector<16xf32>,
    %swap3A_156 = arith.constant 592 : index
    %swap3A_157 = tpu.vector_load %arg9[%swap3A_156] {strides = array<i32>} : memref<1024xf32, #tpu.memory_space<vmem>>, vector<16xf32>,
    tpu.vector_store %arg9[%swap3A_156], %broadcast_in_dim3A_0 {strides = array<i32>} : memref<1024xf32, #tpu.memory_space<vmem>>, vector<16xf32>,
    %swap3A_158 = arith.constant 592 : index
    %swap3A_159 = tpu.vector_load %arg10[%swap3A_158] {strides = array<i32>} : memref<1024xf32, #tpu.memory_space<vmem>>, vector<16xf32>,
    tpu.vector_store %arg10[%swap3A_158], %broadcast_in_dim3A_0 {strides = array<i32>} : memref<1024xf32, #tpu.memory_space<vmem>>, vector<16xf32>,
    %swap3A_160 = arith.constant 608 : index
    %swap3A_161 = tpu.vector_load %arg9[%swap3A_160] {strides = array<i32>} : memref<1024xf32, #tpu.memory_space<vmem>>, vector<16xf32>,
    tpu.vector_store %arg9[%swap3A_160], %broadcast_in_dim3A_0 {strides = array<i32>} : memref<1024xf32, #tpu.memory_space<vmem>>, vector<16xf32>,
    %swap3A_162 = arith.constant 608 : index
    %swap3A_163 = tpu.vector_load %arg10[%swap3A_162] {strides = array<i32>} : memref<1024xf32, #tpu.memory_space<vmem>>, vector<16xf32>,
    tpu.vector_store %arg10[%swap3A_162], %broadcast_in_dim3A_0 {strides = array<i32>} : memref<1024xf32, #tpu.memory_space<vmem>>, vector<16xf32>,
    %swap3A_164 = arith.constant 624 : index
    %swap3A_165 = tpu.vector_load %arg9[%swap3A_164] {strides = array<i32>} : memref<1024xf32, #tpu.memory_space<vmem>>, vector<16xf32>,
    tpu.vector_store %arg9[%swap3A_164], %broadcast_in_dim3A_0 {strides = array<i32>} : memref<1024xf32, #tpu.memory_space<vmem>>, vector<16xf32>,
    %swap3A_166 = arith.constant 624 : index
    %swap3A_167 = tpu.vector_load %arg10[%swap3A_166] {strides = array<i32>} : memref<1024xf32, #tpu.memory_space<vmem>>, vector<16xf32>,
    tpu.vector_store %arg10[%swap3A_166], %broadcast_in_dim3A_0 {strides = array<i32>} : memref<1024xf32, #tpu.memory_space<vmem>>, vector<16xf32>,
    %swap3A_168 = arith.constant 640 : index
    %swap3A_169 = tpu.vector_load %arg9[%swap3A_168] {strides = array<i32>} : memref<1024xf32, #tpu.memory_space<vmem>>, vector<16xf32>,
    tpu.vector_store %arg9[%swap3A_168], %broadcast_in_dim3A_0 {strides = array<i32>} : memref<1024xf32, #tpu.memory_space<vmem>>, vector<16xf32>,
    %swap3A_170 = arith.constant 640 : index
    %swap3A_171 = tpu.vector_load %arg10[%swap3A_170] {strides = array<i32>} : memref<1024xf32, #tpu.memory_space<vmem>>, vector<16xf32>,
    tpu.vector_store %arg10[%swap3A_170], %broadcast_in_dim3A_0 {strides = array<i32>} : memref<1024xf32, #tpu.memory_space<vmem>>, vector<16xf32>,
    %swap3A_172 = arith.constant 656 : index
    %swap3A_173 = tpu.vector_load %arg9[%swap3A_172] {strides = array<i32>} : memref<1024xf32, #tpu.memory_space<vmem>>, vector<16xf32>,
    tpu.vector_store %arg9[%swap3A_172], %broadcast_in_dim3A_0 {strides = array<i32>} : memref<1024xf32, #tpu.memory_space<vmem>>, vector<16xf32>,
    %swap3A_174 = arith.constant 656 : index
    %swap3A_175 = tpu.vector_load %arg10[%swap3A_174] {strides = array<i32>} : memref<1024xf32, #tpu.memory_space<vmem>>, vector<16xf32>,
    tpu.vector_store %arg10[%swap3A_174], %broadcast_in_dim3A_0 {strides = array<i32>} : memref<1024xf32, #tpu.memory_space<vmem>>, vector<16xf32>,
    %swap3A_176 = arith.constant 672 : index
    %swap3A_177 = tpu.vector_load %arg9[%swap3A_176] {strides = array<i32>} : memref<1024xf32, #tpu.memory_space<vmem>>, vector<16xf32>,
    tpu.vector_store %arg9[%swap3A_176], %broadcast_in_dim3A_0 {strides = array<i32>} : memref<1024xf32, #tpu.memory_space<vmem>>, vector<16xf32>,
    %swap3A_178 = arith.constant 672 : index
    %swap3A_179 = tpu.vector_load %arg10[%swap3A_178] {strides = array<i32>} : memref<1024xf32, #tpu.memory_space<vmem>>, vector<16xf32>,
    tpu.vector_store %arg10[%swap3A_178], %broadcast_in_dim3A_0 {strides = array<i32>} : memref<1024xf32, #tpu.memory_space<vmem>>, vector<16xf32>,
    %swap3A_180 = arith.constant 688 : index
    %swap3A_181 = tpu.vector_load %arg9[%swap3A_180] {strides = array<i32>} : memref<1024xf32, #tpu.memory_space<vmem>>, vector<16xf32>,
    tpu.vector_store %arg9[%swap3A_180], %broadcast_in_dim3A_0 {strides = array<i32>} : memref<1024xf32, #tpu.memory_space<vmem>>, vector<16xf32>,
    %swap3A_182 = arith.constant 688 : index
    %swap3A_183 = tpu.vector_load %arg10[%swap3A_182] {strides = array<i32>} : memref<1024xf32, #tpu.memory_space<vmem>>, vector<16xf32>,
    tpu.vector_store %arg10[%swap3A_182], %broadcast_in_dim3A_0 {strides = array<i32>} : memref<1024xf32, #tpu.memory_space<vmem>>, vector<16xf32>,
    %swap3A_184 = arith.constant 704 : index
    %swap3A_185 = tpu.vector_load %arg9[%swap3A_184] {strides = array<i32>} : memref<1024xf32, #tpu.memory_space<vmem>>, vector<16xf32>,
    tpu.vector_store %arg9[%swap3A_184], %broadcast_in_dim3A_0 {strides = array<i32>} : memref<1024xf32, #tpu.memory_space<vmem>>, vector<16xf32>,
    %swap3A_186 = arith.constant 704 : index
    %swap3A_187 = tpu.vector_load %arg10[%swap3A_186] {strides = array<i32>} : memref<1024xf32, #tpu.memory_space<vmem>>, vector<16xf32>,
    tpu.vector_store %arg10[%swap3A_186], %broadcast_in_dim3A_0 {strides = array<i32>} : memref<1024xf32, #tpu.memory_space<vmem>>, vector<16xf32>,
    %swap3A_188 = arith.constant 720 : index
    %swap3A_189 = tpu.vector_load %arg9[%swap3A_188] {strides = array<i32>} : memref<1024xf32, #tpu.memory_space<vmem>>, vector<16xf32>,
    tpu.vector_store %arg9[%swap3A_188], %broadcast_in_dim3A_0 {strides = array<i32>} : memref<1024xf32, #tpu.memory_space<vmem>>, vector<16xf32>,
    %swap3A_190 = arith.constant 720 : index
    %swap3A_191 = tpu.vector_load %arg10[%swap3A_190] {strides = array<i32>} : memref<1024xf32, #tpu.memory_space<vmem>>, vector<16xf32>,
    tpu.vector_store %arg10[%swap3A_190], %broadcast_in_dim3A_0 {strides = array<i32>} : memref<1024xf32, #tpu.memory_space<vmem>>, vector<16xf32>,
    %swap3A_192 = arith.constant 736 : index
    %swap3A_193 = tpu.vector_load %arg9[%swap3A_192] {strides = array<i32>} : memref<1024xf32, #tpu.memory_space<vmem>>, vector<16xf32>,
    tpu.vector_store %arg9[%swap3A_192], %broadcast_in_dim3A_0 {strides = array<i32>} : memref<1024xf32, #tpu.memory_space<vmem>>, vector<16xf32>,
    %swap3A_194 = arith.constant 736 : index
    %swap3A_195 = tpu.vector_load %arg10[%swap3A_194] {strides = array<i32>} : memref<1024xf32, #tpu.memory_space<vmem>>, vector<16xf32>,
    tpu.vector_store %arg10[%swap3A_194], %broadcast_in_dim3A_0 {strides = array<i32>} : memref<1024xf32, #tpu.memory_space<vmem>>, vector<16xf32>,
    %swap3A_196 = arith.constant 752 : index
    %swap3A_197 = tpu.vector_load %arg9[%swap3A_196] {strides = array<i32>} : memref<1024xf32, #tpu.memory_space<vmem>>, vector<16xf32>,
    tpu.vector_store %arg9[%swap3A_196], %broadcast_in_dim3A_0 {strides = array<i32>} : memref<1024xf32, #tpu.memory_space<vmem>>, vector<16xf32>,
    %swap3A_198 = arith.constant 752 : index
    %swap3A_199 = tpu.vector_load %arg10[%swap3A_198] {strides = array<i32>} : memref<1024xf32, #tpu.memory_space<vmem>>, vector<16xf32>,
    tpu.vector_store %arg10[%swap3A_198], %broadcast_in_dim3A_0 {strides = array<i32>} : memref<1024xf32, #tpu.memory_space<vmem>>, vector<16xf32>,
    %swap3A_200 = arith.constant 768 : index
    %swap3A_201 = tpu.vector_load %arg9[%swap3A_200] {strides = array<i32>} : memref<1024xf32, #tpu.memory_space<vmem>>, vector<16xf32>,
    tpu.vector_store %arg9[%swap3A_200], %broadcast_in_dim3A_0 {strides = array<i32>} : memref<1024xf32, #tpu.memory_space<vmem>>, vector<16xf32>,
    %swap3A_202 = arith.constant 768 : index
    %swap3A_203 = tpu.vector_load %arg10[%swap3A_202] {strides = array<i32>} : memref<1024xf32, #tpu.memory_space<vmem>>, vector<16xf32>,
    tpu.vector_store %arg10[%swap3A_202], %broadcast_in_dim3A_0 {strides = array<i32>} : memref<1024xf32, #tpu.memory_space<vmem>>, vector<16xf32>,
    %swap3A_204 = arith.constant 784 : index
    %swap3A_205 = tpu.vector_load %arg9[%swap3A_204] {strides = array<i32>} : memref<1024xf32, #tpu.memory_space<vmem>>, vector<16xf32>,
    tpu.vector_store %arg9[%swap3A_204], %broadcast_in_dim3A_0 {strides = array<i32>} : memref<1024xf32, #tpu.memory_space<vmem>>, vector<16xf32>,
    %swap3A_206 = arith.constant 784 : index
    %swap3A_207 = tpu.vector_load %arg10[%swap3A_206] {strides = array<i32>} : memref<1024xf32, #tpu.memory_space<vmem>>, vector<16xf32>,
    tpu.vector_store %arg10[%swap3A_206], %broadcast_in_dim3A_0 {strides = array<i32>} : memref<1024xf32, #tpu.memory_space<vmem>>, vector<16xf32>,
    %swap3A_208 = arith.constant 800 : index
    %swap3A_209 = tpu.vector_load %arg9[%swap3A_208] {strides = array<i32>} : memref<1024xf32, #tpu.memory_space<vmem>>, vector<16xf32>,
    tpu.vector_store %arg9[%swap3A_208], %broadcast_in_dim3A_0 {strides = array<i32>} : memref<1024xf32, #tpu.memory_space<vmem>>, vector<16xf32>,
    %swap3A_210 = arith.constant 800 : index
    %swap3A_211 = tpu.vector_load %arg10[%swap3A_210] {strides = array<i32>} : memref<1024xf32, #tpu.memory_space<vmem>>, vector<16xf32>,
    tpu.vector_store %arg10[%swap3A_210], %broadcast_in_dim3A_0 {strides = array<i32>} : memref<1024xf32, #tpu.memory_space<vmem>>, vector<16xf32>,
    %swap3A_212 = arith.constant 816 : index
    %swap3A_213 = tpu.vector_load %arg9[%swap3A_212] {strides = array<i32>} : memref<1024xf32, #tpu.memory_space<vmem>>, vector<16xf32>,
    tpu.vector_store %arg9[%swap3A_212], %broadcast_in_dim3A_0 {strides = array<i32>} : memref<1024xf32, #tpu.memory_space<vmem>>, vector<16xf32>,
    %swap3A_214 = arith.constant 816 : index
    %swap3A_215 = tpu.vector_load %arg10[%swap3A_214] {strides = array<i32>} : memref<1024xf32, #tpu.memory_space<vmem>>, vector<16xf32>,
    tpu.vector_store %arg10[%swap3A_214], %broadcast_in_dim3A_0 {strides = array<i32>} : memref<1024xf32, #tpu.memory_space<vmem>>, vector<16xf32>,
    %swap3A_216 = arith.constant 832 : index
    %swap3A_217 = tpu.vector_load %arg9[%swap3A_216] {strides = array<i32>} : memref<1024xf32, #tpu.memory_space<vmem>>, vector<16xf32>,
    tpu.vector_store %arg9[%swap3A_216], %broadcast_in_dim3A_0 {strides = array<i32>} : memref<1024xf32, #tpu.memory_space<vmem>>, vector<16xf32>,
    %swap3A_218 = arith.constant 832 : index
    %swap3A_219 = tpu.vector_load %arg10[%swap3A_218] {strides = array<i32>} : memref<1024xf32, #tpu.memory_space<vmem>>, vector<16xf32>,
    tpu.vector_store %arg10[%swap3A_218], %broadcast_in_dim3A_0 {strides = array<i32>} : memref<1024xf32, #tpu.memory_space<vmem>>, vector<16xf32>,
    %swap3A_220 = arith.constant 848 : index
    %swap3A_221 = tpu.vector_load %arg9[%swap3A_220] {strides = array<i32>} : memref<1024xf32, #tpu.memory_space<vmem>>, vector<16xf32>,
    tpu.vector_store %arg9[%swap3A_220], %broadcast_in_dim3A_0 {strides = array<i32>} : memref<1024xf32, #tpu.memory_space<vmem>>, vector<16xf32>,
    %swap3A_222 = arith.constant 848 : index
    %swap3A_223 = tpu.vector_load %arg10[%swap3A_222] {strides = array<i32>} : memref<1024xf32, #tpu.memory_space<vmem>>, vector<16xf32>,
    tpu.vector_store %arg10[%swap3A_222], %broadcast_in_dim3A_0 {strides = array<i32>} : memref<1024xf32, #tpu.memory_space<vmem>>, vector<16xf32>,
    %swap3A_224 = arith.constant 864 : index
    %swap3A_225 = tpu.vector_load %arg9[%swap3A_224] {strides = array<i32>} : memref<1024xf32, #tpu.memory_space<vmem>>, vector<16xf32>,
    tpu.vector_store %arg9[%swap3A_224], %broadcast_in_dim3A_0 {strides = array<i32>} : memref<1024xf32, #tpu.memory_space<vmem>>, vector<16xf32>,
    %swap3A_226 = arith.constant 864 : index
    %swap3A_227 = tpu.vector_load %arg10[%swap3A_226] {strides = array<i32>} : memref<1024xf32, #tpu.memory_space<vmem>>, vector<16xf32>,
    tpu.vector_store %arg10[%swap3A_226], %broadcast_in_dim3A_0 {strides = array<i32>} : memref<1024xf32, #tpu.memory_space<vmem>>, vector<16xf32>,
    %swap3A_228 = arith.constant 880 : index
    %swap3A_229 = tpu.vector_load %arg9[%swap3A_228] {strides = array<i32>} : memref<1024xf32, #tpu.memory_space<vmem>>, vector<16xf32>,
    tpu.vector_store %arg9[%swap3A_228], %broadcast_in_dim3A_0 {strides = array<i32>} : memref<1024xf32, #tpu.memory_space<vmem>>, vector<16xf32>,
    %swap3A_230 = arith.constant 880 : index
    %swap3A_231 = tpu.vector_load %arg10[%swap3A_230] {strides = array<i32>} : memref<1024xf32, #tpu.memory_space<vmem>>, vector<16xf32>,
    tpu.vector_store %arg10[%swap3A_230], %broadcast_in_dim3A_0 {strides = array<i32>} : memref<1024xf32, #tpu.memory_space<vmem>>, vector<16xf32>,
    %swap3A_232 = arith.constant 896 : index
    %swap3A_233 = tpu.vector_load %arg9[%swap3A_232] {strides = array<i32>} : memref<1024xf32, #tpu.memory_space<vmem>>, vector<16xf32>,
    tpu.vector_store %arg9[%swap3A_232], %broadcast_in_dim3A_0 {strides = array<i32>} : memref<1024xf32, #tpu.memory_space<vmem>>, vector<16xf32>,
    %swap3A_234 = arith.constant 896 : index
    %swap3A_235 = tpu.vector_load %arg10[%swap3A_234] {strides = array<i32>} : memref<1024xf32, #tpu.memory_space<vmem>>, vector<16xf32>,
    tpu.vector_store %arg10[%swap3A_234], %broadcast_in_dim3A_0 {strides = array<i32>} : memref<1024xf32, #tpu.memory_space<vmem>>, vector<16xf32>,
    %swap3A_236 = arith.constant 912 : index
    %swap3A_237 = tpu.vector_load %arg9[%swap3A_236] {strides = array<i32>} : memref<1024xf32, #tpu.memory_space<vmem>>, vector<16xf32>,
    tpu.vector_store %arg9[%swap3A_236], %broadcast_in_dim3A_0 {strides = array<i32>} : memref<1024xf32, #tpu.memory_space<vmem>>, vector<16xf32>,
    %swap3A_238 = arith.constant 912 : index
    %swap3A_239 = tpu.vector_load %arg10[%swap3A_238] {strides = array<i32>} : memref<1024xf32, #tpu.memory_space<vmem>>, vector<16xf32>,
    tpu.vector_store %arg10[%swap3A_238], %broadcast_in_dim3A_0 {strides = array<i32>} : memref<1024xf32, #tpu.memory_space<vmem>>, vector<16xf32>,
    %swap3A_240 = arith.constant 928 : index
    %swap3A_241 = tpu.vector_load %arg9[%swap3A_240] {strides = array<i32>} : memref<1024xf32, #tpu.memory_space<vmem>>, vector<16xf32>,
    tpu.vector_store %arg9[%swap3A_240], %broadcast_in_dim3A_0 {strides = array<i32>} : memref<1024xf32, #tpu.memory_space<vmem>>, vector<16xf32>,
    %swap3A_242 = arith.constant 928 : index
    %swap3A_243 = tpu.vector_load %arg10[%swap3A_242] {strides = array<i32>} : memref<1024xf32, #tpu.memory_space<vmem>>, vector<16xf32>,
    tpu.vector_store %arg10[%swap3A_242], %broadcast_in_dim3A_0 {strides = array<i32>} : memref<1024xf32, #tpu.memory_space<vmem>>, vector<16xf32>,
    %swap3A_244 = arith.constant 944 : index
    %swap3A_245 = tpu.vector_load %arg9[%swap3A_244] {strides = array<i32>} : memref<1024xf32, #tpu.memory_space<vmem>>, vector<16xf32>,
    tpu.vector_store %arg9[%swap3A_244], %broadcast_in_dim3A_0 {strides = array<i32>} : memref<1024xf32, #tpu.memory_space<vmem>>, vector<16xf32>,
    %swap3A_246 = arith.constant 944 : index
    %swap3A_247 = tpu.vector_load %arg10[%swap3A_246] {strides = array<i32>} : memref<1024xf32, #tpu.memory_space<vmem>>, vector<16xf32>,
    tpu.vector_store %arg10[%swap3A_246], %broadcast_in_dim3A_0 {strides = array<i32>} : memref<1024xf32, #tpu.memory_space<vmem>>, vector<16xf32>,
    %swap3A_248 = arith.constant 960 : index
    %swap3A_249 = tpu.vector_load %arg9[%swap3A_248] {strides = array<i32>} : memref<1024xf32, #tpu.memory_space<vmem>>, vector<16xf32>,
    tpu.vector_store %arg9[%swap3A_248], %broadcast_in_dim3A_0 {strides = array<i32>} : memref<1024xf32, #tpu.memory_space<vmem>>, vector<16xf32>,
    %swap3A_250 = arith.constant 960 : index
    %swap3A_251 = tpu.vector_load %arg10[%swap3A_250] {strides = array<i32>} : memref<1024xf32, #tpu.memory_space<vmem>>, vector<16xf32>,
    tpu.vector_store %arg10[%swap3A_250], %broadcast_in_dim3A_0 {strides = array<i32>} : memref<1024xf32, #tpu.memory_space<vmem>>, vector<16xf32>,
    %swap3A_252 = arith.constant 976 : index
    %swap3A_253 = tpu.vector_load %arg9[%swap3A_252] {strides = array<i32>} : memref<1024xf32, #tpu.memory_space<vmem>>, vector<16xf32>,
    tpu.vector_store %arg9[%swap3A_252], %broadcast_in_dim3A_0 {strides = array<i32>} : memref<1024xf32, #tpu.memory_space<vmem>>, vector<16xf32>,
    %swap3A_254 = arith.constant 976 : index
    %swap3A_255 = tpu.vector_load %arg10[%swap3A_254] {strides = array<i32>} : memref<1024xf32, #tpu.memory_space<vmem>>, vector<16xf32>,
    tpu.vector_store %arg10[%swap3A_254], %broadcast_in_dim3A_0 {strides = array<i32>} : memref<1024xf32, #tpu.memory_space<vmem>>, vector<16xf32>,
    %swap3A_256 = arith.constant 992 : index
    %swap3A_257 = tpu.vector_load %arg9[%swap3A_256] {strides = array<i32>} : memref<1024xf32, #tpu.memory_space<vmem>>, vector<16xf32>,
    tpu.vector_store %arg9[%swap3A_256], %broadcast_in_dim3A_0 {strides = array<i32>} : memref<1024xf32, #tpu.memory_space<vmem>>, vector<16xf32>,
    %swap3A_258 = arith.constant 992 : index
    %swap3A_259 = tpu.vector_load %arg10[%swap3A_258] {strides = array<i32>} : memref<1024xf32, #tpu.memory_space<vmem>>, vector<16xf32>,
    tpu.vector_store %arg10[%swap3A_258], %broadcast_in_dim3A_0 {strides = array<i32>} : memref<1024xf32, #tpu.memory_space<vmem>>, vector<16xf32>,
    %swap3A_260 = arith.constant 1008 : index
    %swap3A_261 = tpu.vector_load %arg9[%swap3A_260] {strides = array<i32>} : memref<1024xf32, #tpu.memory_space<vmem>>, vector<16xf32>,
    tpu.vector_store %arg9[%swap3A_260], %broadcast_in_dim3A_0 {strides = array<i32>} : memref<1024xf32, #tpu.memory_space<vmem>>, vector<16xf32>,
    %swap3A_262 = arith.constant 1008 : index
    %swap3A_263 = tpu.vector_load %arg10[%swap3A_262] {strides = array<i32>} : memref<1024xf32, #tpu.memory_space<vmem>>, vector<16xf32>,
    tpu.vector_store %arg10[%swap3A_262], %broadcast_in_dim3A_0 {strides = array<i32>} : memref<1024xf32, #tpu.memory_space<vmem>>, vector<16xf32>,
    %dma_wait3A = tpu.memref_slice %arg2[%mul3A_3] : memref<16384xf32, #tpu.memory_space<hbm>> -> memref<1024xf32, #tpu.memory_space<hbm>>
    %dma_wait3A_264 = tpu.memref_slice %arg2[%mul3A_3] : memref<16384xf32, #tpu.memory_space<hbm>> -> memref<1024xf32, #tpu.memory_space<hbm>>
    tpu.wait_dma2 semaphore(%arg15 : memref<!tpu.dma_semaphore, #tpu.memory_space<semaphore_mem>>) src(%dma_wait3A_264 : memref<1024xf32, #tpu.memory_space<hbm>>) dst(%arg6 : memref<1024xf32, #tpu.memory_space<vmem>>)
    %dma_wait3A_265 = tpu.memref_slice %arg3[%mul3A_3] : memref<16384xi32, #tpu.memory_space<hbm>> -> memref<1024xi32, #tpu.memory_space<hbm>>
    %dma_wait3A_266 = tpu.memref_slice %arg3[%mul3A_3] : memref<16384xi32, #tpu.memory_space<hbm>> -> memref<1024xi32, #tpu.memory_space<hbm>>
    tpu.wait_dma2 semaphore(%arg16 : memref<!tpu.dma_semaphore, #tpu.memory_space<semaphore_mem>>) src(%dma_wait3A_266 : memref<1024xi32, #tpu.memory_space<hbm>>) dst(%arg7 : memref<1024xi32, #tpu.memory_space<vmem>>)
    %dma_wait3A_267 = tpu.memref_slice %arg4[%mul3A_3] : memref<16384xi32, #tpu.memory_space<hbm>> -> memref<1024xi32, #tpu.memory_space<hbm>>
    %dma_wait3A_268 = tpu.memref_slice %arg4[%mul3A_3] : memref<16384xi32, #tpu.memory_space<hbm>> -> memref<1024xi32, #tpu.memory_space<hbm>>
    tpu.wait_dma2 semaphore(%arg17 : memref<!tpu.dma_semaphore, #tpu.memory_space<semaphore_mem>>) src(%dma_wait3A_268 : memref<1024xi32, #tpu.memory_space<hbm>>) dst(%arg8 : memref<1024xi32, #tpu.memory_space<vmem>>)
    %mul3A_269 = arith.constant 64 : i32
    %mul3A_270 = vector.broadcast %mul3A_269 : i32 to vector<16xi32>
    %mul3A_271 = arith.muli %iota3A, %mul3A_270 : vector<16xi32>
    %scan3A = arith.constant 0 : i32
    %scan3A_272 = arith.constant 0 : i32
    %scan3A_273 = arith.constant 16 : i32
    %scan3A_274 = arith.addi %scan3A_272, %scan3A_273 : i32
    %scan3A_275 = arith.constant 1 : i32
    scf.for %scan3A_681 = %scan3A_272 to %scan3A_274 step %scan3A_275  : i32 {
      %mul3A_682 = arith.constant 4 : i32
      %mul3A_683 = arith.muli %scan3A_681, %mul3A_682 : i32
      %add3A_684 = arith.constant 0 : i32
      %add3A_685 = arith.addi %mul3A_683, %add3A_684 : i32
      %mul3A_686 = arith.constant 16 : i32
      %mul3A_687 = arith.muli %add3A_685, %mul3A_686 : i32
      %get3A_688 = arith.index_cast %mul3A_687 : i32 to index
      %get3A_689 = tpu.vector_load %arg6[%get3A_688] {strides = array<i32>} : memref<1024xf32, #tpu.memory_space<vmem>>, vector<16xf32>,
      %get3A_690 = arith.index_cast %mul3A_687 : i32 to index
      %get3A_691 = tpu.vector_load %arg7[%get3A_690] {strides = array<i32>} : memref<1024xi32, #tpu.memory_space<vmem>>, vector<16xi32>,
      %get3A_692 = arith.index_cast %mul3A_687 : i32 to index
      %get3A_693 = tpu.vector_load %arg8[%get3A_692] {strides = array<i32>} : memref<1024xi32, #tpu.memory_space<vmem>>, vector<16xi32>,
      %add3A_694 = arith.addi %mul3A_271, %get3A_693 : vector<16xi32>
      %mul3A_695 = arith.constant 32 : i32
      %mul3A_696 = vector.broadcast %mul3A_695 : i32 to vector<16xi32>
      %mul3A_697 = arith.muli %get3A_691, %mul3A_696 : vector<16xi32>
      %add3A_698 = arith.addi %add3A_694, %mul3A_697 : vector<16xi32>
      tpu.vector_store_idx %arg9[%add3A_698], %get3A_689 {add = true} : memref<1024xf32, #tpu.memory_space<vmem>>[vector<16xi32>], vector<16xf32>,
      tpu.vector_store_idx %arg10[%add3A_698], %broadcast_in_dim3A_2 {add = true} : memref<1024xf32, #tpu.memory_space<vmem>>[vector<16xi32>], vector<16xf32>,
      %mul3A_699 = arith.constant 4 : i32
      %mul3A_700 = arith.muli %scan3A_681, %mul3A_699 : i32
      %add3A_701 = arith.constant 1 : i32
      %add3A_702 = arith.addi %mul3A_700, %add3A_701 : i32
      %mul3A_703 = arith.constant 16 : i32
      %mul3A_704 = arith.muli %add3A_702, %mul3A_703 : i32
      %get3A_705 = arith.index_cast %mul3A_704 : i32 to index
      %get3A_706 = tpu.vector_load %arg6[%get3A_705] {strides = array<i32>} : memref<1024xf32, #tpu.memory_space<vmem>>, vector<16xf32>,
      %get3A_707 = arith.index_cast %mul3A_704 : i32 to index
      %get3A_708 = tpu.vector_load %arg7[%get3A_707] {strides = array<i32>} : memref<1024xi32, #tpu.memory_space<vmem>>, vector<16xi32>,
      %get3A_709 = arith.index_cast %mul3A_704 : i32 to index
      %get3A_710 = tpu.vector_load %arg8[%get3A_709] {strides = array<i32>} : memref<1024xi32, #tpu.memory_space<vmem>>, vector<16xi32>,
      %add3A_711 = arith.addi %mul3A_271, %get3A_710 : vector<16xi32>
      %mul3A_712 = arith.constant 32 : i32
      %mul3A_713 = vector.broadcast %mul3A_712 : i32 to vector<16xi32>
      %mul3A_714 = arith.muli %get3A_708, %mul3A_713 : vector<16xi32>
      %add3A_715 = arith.addi %add3A_711, %mul3A_714 : vector<16xi32>
      tpu.vector_store_idx %arg9[%add3A_715], %get3A_706 {add = true} : memref<1024xf32, #tpu.memory_space<vmem>>[vector<16xi32>], vector<16xf32>,
      tpu.vector_store_idx %arg10[%add3A_715], %broadcast_in_dim3A_2 {add = true} : memref<1024xf32, #tpu.memory_space<vmem>>[vector<16xi32>], vector<16xf32>,
      %mul3A_716 = arith.constant 4 : i32
      %mul3A_717 = arith.muli %scan3A_681, %mul3A_716 : i32
      %add3A_718 = arith.constant 2 : i32
      %add3A_719 = arith.addi %mul3A_717, %add3A_718 : i32
      %mul3A_720 = arith.constant 16 : i32
      %mul3A_721 = arith.muli %add3A_719, %mul3A_720 : i32
      %get3A_722 = arith.index_cast %mul3A_721 : i32 to index
      %get3A_723 = tpu.vector_load %arg6[%get3A_722] {strides = array<i32>} : memref<1024xf32, #tpu.memory_space<vmem>>, vector<16xf32>,
      %get3A_724 = arith.index_cast %mul3A_721 : i32 to index
      %get3A_725 = tpu.vector_load %arg7[%get3A_724] {strides = array<i32>} : memref<1024xi32, #tpu.memory_space<vmem>>, vector<16xi32>,
      %get3A_726 = arith.index_cast %mul3A_721 : i32 to index
      %get3A_727 = tpu.vector_load %arg8[%get3A_726] {strides = array<i32>} : memref<1024xi32, #tpu.memory_space<vmem>>, vector<16xi32>,
      %add3A_728 = arith.addi %mul3A_271, %get3A_727 : vector<16xi32>
      %mul3A_729 = arith.constant 32 : i32
      %mul3A_730 = vector.broadcast %mul3A_729 : i32 to vector<16xi32>
      %mul3A_731 = arith.muli %get3A_725, %mul3A_730 : vector<16xi32>
      %add3A_732 = arith.addi %add3A_728, %mul3A_731 : vector<16xi32>
      tpu.vector_store_idx %arg9[%add3A_732], %get3A_723 {add = true} : memref<1024xf32, #tpu.memory_space<vmem>>[vector<16xi32>], vector<16xf32>,
      tpu.vector_store_idx %arg10[%add3A_732], %broadcast_in_dim3A_2 {add = true} : memref<1024xf32, #tpu.memory_space<vmem>>[vector<16xi32>], vector<16xf32>,
      %mul3A_733 = arith.constant 4 : i32
      %mul3A_734 = arith.muli %scan3A_681, %mul3A_733 : i32
      %add3A_735 = arith.constant 3 : i32
      %add3A_736 = arith.addi %mul3A_734, %add3A_735 : i32
      %mul3A_737 = arith.constant 16 : i32
      %mul3A_738 = arith.muli %add3A_736, %mul3A_737 : i32
      %get3A_739 = arith.index_cast %mul3A_738 : i32 to index
      %get3A_740 = tpu.vector_load %arg6[%get3A_739] {strides = array<i32>} : memref<1024xf32, #tpu.memory_space<vmem>>, vector<16xf32>,
      %get3A_741 = arith.index_cast %mul3A_738 : i32 to index
      %get3A_742 = tpu.vector_load %arg7[%get3A_741] {strides = array<i32>} : memref<1024xi32, #tpu.memory_space<vmem>>, vector<16xi32>,
      %get3A_743 = arith.index_cast %mul3A_738 : i32 to index
      %get3A_744 = tpu.vector_load %arg8[%get3A_743] {strides = array<i32>} : memref<1024xi32, #tpu.memory_space<vmem>>, vector<16xi32>,
      %add3A_745 = arith.addi %mul3A_271, %get3A_744 : vector<16xi32>
      %mul3A_746 = arith.constant 32 : i32
      %mul3A_747 = vector.broadcast %mul3A_746 : i32 to vector<16xi32>
      %mul3A_748 = arith.muli %get3A_742, %mul3A_747 : vector<16xi32>
      %add3A_749 = arith.addi %add3A_745, %mul3A_748 : vector<16xi32>
      tpu.vector_store_idx %arg9[%add3A_749], %get3A_740 {add = true} : memref<1024xf32, #tpu.memory_space<vmem>>[vector<16xi32>], vector<16xf32>,
      tpu.vector_store_idx %arg10[%add3A_749], %broadcast_in_dim3A_2 {add = true} : memref<1024xf32, #tpu.memory_space<vmem>>[vector<16xi32>], vector<16xf32>,
    }
    %scan3A_276 = arith.constant 16 : i32
    %get3A = arith.constant 0 : index
    %get3A_277 = tpu.vector_load %arg9[%get3A] {strides = array<i32>} : memref<1024xf32, #tpu.memory_space<vmem>>, vector<16xf32>,
    %get3A_278 = arith.constant 0 : index
    %get3A_279 = tpu.vector_load %arg10[%get3A_278] {strides = array<i32>} : memref<1024xf32, #tpu.memory_space<vmem>>, vector<16xf32>,
    %get3A_280 = arith.constant 64 : index
    %get3A_281 = tpu.vector_load %arg9[%get3A_280] {strides = array<i32>} : memref<1024xf32, #tpu.memory_space<vmem>>, vector<16xf32>,
    %add3A = arith.addf %get3A_277, %get3A_281 : vector<16xf32>
    %get3A_282 = arith.constant 64 : index
    %get3A_283 = tpu.vector_load %arg10[%get3A_282] {strides = array<i32>} : memref<1024xf32, #tpu.memory_space<vmem>>, vector<16xf32>,
    %add3A_284 = arith.addf %get3A_279, %get3A_283 : vector<16xf32>
    %get3A_285 = arith.constant 128 : index
    %get3A_286 = tpu.vector_load %arg9[%get3A_285] {strides = array<i32>} : memref<1024xf32, #tpu.memory_space<vmem>>, vector<16xf32>,
    %add3A_287 = arith.addf %add3A, %get3A_286 : vector<16xf32>
    %get3A_288 = arith.constant 128 : index
    %get3A_289 = tpu.vector_load %arg10[%get3A_288] {strides = array<i32>} : memref<1024xf32, #tpu.memory_space<vmem>>, vector<16xf32>,
    %add3A_290 = arith.addf %add3A_284, %get3A_289 : vector<16xf32>
    %get3A_291 = arith.constant 192 : index
    %get3A_292 = tpu.vector_load %arg9[%get3A_291] {strides = array<i32>} : memref<1024xf32, #tpu.memory_space<vmem>>, vector<16xf32>,
    %add3A_293 = arith.addf %add3A_287, %get3A_292 : vector<16xf32>
    %get3A_294 = arith.constant 192 : index
    %get3A_295 = tpu.vector_load %arg10[%get3A_294] {strides = array<i32>} : memref<1024xf32, #tpu.memory_space<vmem>>, vector<16xf32>,
    %add3A_296 = arith.addf %add3A_290, %get3A_295 : vector<16xf32>
    %get3A_297 = arith.constant 256 : index
    %get3A_298 = tpu.vector_load %arg9[%get3A_297] {strides = array<i32>} : memref<1024xf32, #tpu.memory_space<vmem>>, vector<16xf32>,
    %add3A_299 = arith.addf %add3A_293, %get3A_298 : vector<16xf32>
    %get3A_300 = arith.constant 256 : index
    %get3A_301 = tpu.vector_load %arg10[%get3A_300] {strides = array<i32>} : memref<1024xf32, #tpu.memory_space<vmem>>, vector<16xf32>,
    %add3A_302 = arith.addf %add3A_296, %get3A_301 : vector<16xf32>
    %get3A_303 = arith.constant 320 : index
    %get3A_304 = tpu.vector_load %arg9[%get3A_303] {strides = array<i32>} : memref<1024xf32, #tpu.memory_space<vmem>>, vector<16xf32>,
    %add3A_305 = arith.addf %add3A_299, %get3A_304 : vector<16xf32>
    %get3A_306 = arith.constant 320 : index
    %get3A_307 = tpu.vector_load %arg10[%get3A_306] {strides = array<i32>} : memref<1024xf32, #tpu.memory_space<vmem>>, vector<16xf32>,
    %add3A_308 = arith.addf %add3A_302, %get3A_307 : vector<16xf32>
    %get3A_309 = arith.constant 384 : index
    %get3A_310 = tpu.vector_load %arg9[%get3A_309] {strides = array<i32>} : memref<1024xf32, #tpu.memory_space<vmem>>, vector<16xf32>,
    %add3A_311 = arith.addf %add3A_305, %get3A_310 : vector<16xf32>
    %get3A_312 = arith.constant 384 : index
    %get3A_313 = tpu.vector_load %arg10[%get3A_312] {strides = array<i32>} : memref<1024xf32, #tpu.memory_space<vmem>>, vector<16xf32>,
    %add3A_314 = arith.addf %add3A_308, %get3A_313 : vector<16xf32>
    %get3A_315 = arith.constant 448 : index
    %get3A_316 = tpu.vector_load %arg9[%get3A_315] {strides = array<i32>} : memref<1024xf32, #tpu.memory_space<vmem>>, vector<16xf32>,
    %add3A_317 = arith.addf %add3A_311, %get3A_316 : vector<16xf32>
    %get3A_318 = arith.constant 448 : index
    %get3A_319 = tpu.vector_load %arg10[%get3A_318] {strides = array<i32>} : memref<1024xf32, #tpu.memory_space<vmem>>, vector<16xf32>,
    %add3A_320 = arith.addf %add3A_314, %get3A_319 : vector<16xf32>
    %get3A_321 = arith.constant 512 : index
    %get3A_322 = tpu.vector_load %arg9[%get3A_321] {strides = array<i32>} : memref<1024xf32, #tpu.memory_space<vmem>>, vector<16xf32>,
    %add3A_323 = arith.addf %add3A_317, %get3A_322 : vector<16xf32>
    %get3A_324 = arith.constant 512 : index
    %get3A_325 = tpu.vector_load %arg10[%get3A_324] {strides = array<i32>} : memref<1024xf32, #tpu.memory_space<vmem>>, vector<16xf32>,
    %add3A_326 = arith.addf %add3A_320, %get3A_325 : vector<16xf32>
    %get3A_327 = arith.constant 576 : index
    %get3A_328 = tpu.vector_load %arg9[%get3A_327] {strides = array<i32>} : memref<1024xf32, #tpu.memory_space<vmem>>, vector<16xf32>,
    %add3A_329 = arith.addf %add3A_323, %get3A_328 : vector<16xf32>
    %get3A_330 = arith.constant 576 : index
    %get3A_331 = tpu.vector_load %arg10[%get3A_330] {strides = array<i32>} : memref<1024xf32, #tpu.memory_space<vmem>>, vector<16xf32>,
    %add3A_332 = arith.addf %add3A_326, %get3A_331 : vector<16xf32>
    %get3A_333 = arith.constant 640 : index
    %get3A_334 = tpu.vector_load %arg9[%get3A_333] {strides = array<i32>} : memref<1024xf32, #tpu.memory_space<vmem>>, vector<16xf32>,
    %add3A_335 = arith.addf %add3A_329, %get3A_334 : vector<16xf32>
    %get3A_336 = arith.constant 640 : index
    %get3A_337 = tpu.vector_load %arg10[%get3A_336] {strides = array<i32>} : memref<1024xf32, #tpu.memory_space<vmem>>, vector<16xf32>,
    %add3A_338 = arith.addf %add3A_332, %get3A_337 : vector<16xf32>
    %get3A_339 = arith.constant 704 : index
    %get3A_340 = tpu.vector_load %arg9[%get3A_339] {strides = array<i32>} : memref<1024xf32, #tpu.memory_space<vmem>>, vector<16xf32>,
    %add3A_341 = arith.addf %add3A_335, %get3A_340 : vector<16xf32>
    %get3A_342 = arith.constant 704 : index
    %get3A_343 = tpu.vector_load %arg10[%get3A_342] {strides = array<i32>} : memref<1024xf32, #tpu.memory_space<vmem>>, vector<16xf32>,
    %add3A_344 = arith.addf %add3A_338, %get3A_343 : vector<16xf32>
    %get3A_345 = arith.constant 768 : index
    %get3A_346 = tpu.vector_load %arg9[%get3A_345] {strides = array<i32>} : memref<1024xf32, #tpu.memory_space<vmem>>, vector<16xf32>,
    %add3A_347 = arith.addf %add3A_341, %get3A_346 : vector<16xf32>
    %get3A_348 = arith.constant 768 : index
    %get3A_349 = tpu.vector_load %arg10[%get3A_348] {strides = array<i32>} : memref<1024xf32, #tpu.memory_space<vmem>>, vector<16xf32>,
    %add3A_350 = arith.addf %add3A_344, %get3A_349 : vector<16xf32>
    %get3A_351 = arith.constant 832 : index
    %get3A_352 = tpu.vector_load %arg9[%get3A_351] {strides = array<i32>} : memref<1024xf32, #tpu.memory_space<vmem>>, vector<16xf32>,
    %add3A_353 = arith.addf %add3A_347, %get3A_352 : vector<16xf32>
    %get3A_354 = arith.constant 832 : index
    %get3A_355 = tpu.vector_load %arg10[%get3A_354] {strides = array<i32>} : memref<1024xf32, #tpu.memory_space<vmem>>, vector<16xf32>,
    %add3A_356 = arith.addf %add3A_350, %get3A_355 : vector<16xf32>
    %get3A_357 = arith.constant 896 : index
    %get3A_358 = tpu.vector_load %arg9[%get3A_357] {strides = array<i32>} : memref<1024xf32, #tpu.memory_space<vmem>>, vector<16xf32>,
    %add3A_359 = arith.addf %add3A_353, %get3A_358 : vector<16xf32>
    %get3A_360 = arith.constant 896 : index
    %get3A_361 = tpu.vector_load %arg10[%get3A_360] {strides = array<i32>} : memref<1024xf32, #tpu.memory_space<vmem>>, vector<16xf32>,
    %add3A_362 = arith.addf %add3A_356, %get3A_361 : vector<16xf32>
    %get3A_363 = arith.constant 960 : index
    %get3A_364 = tpu.vector_load %arg9[%get3A_363] {strides = array<i32>} : memref<1024xf32, #tpu.memory_space<vmem>>, vector<16xf32>,
    %add3A_365 = arith.addf %add3A_359, %get3A_364 : vector<16xf32>
    %get3A_366 = arith.constant 960 : index
    %get3A_367 = tpu.vector_load %arg10[%get3A_366] {strides = array<i32>} : memref<1024xf32, #tpu.memory_space<vmem>>, vector<16xf32>,
    %add3A_368 = arith.addf %add3A_362, %get3A_367 : vector<16xf32>
    %swap3A_369 = arith.constant 0 : index
    %swap3A_370 = tpu.vector_load %arg11[%swap3A_369] {strides = array<i32>} : memref<128xf32, #tpu.memory_space<vmem>>, vector<16xf32>,
    tpu.vector_store %arg11[%swap3A_369], %add3A_365 {strides = array<i32>} : memref<128xf32, #tpu.memory_space<vmem>>, vector<16xf32>,
    %swap3A_371 = arith.constant 64 : index
    %swap3A_372 = tpu.vector_load %arg11[%swap3A_371] {strides = array<i32>} : memref<128xf32, #tpu.memory_space<vmem>>, vector<16xf32>,
    tpu.vector_store %arg11[%swap3A_371], %add3A_368 {strides = array<i32>} : memref<128xf32, #tpu.memory_space<vmem>>, vector<16xf32>,
    %get3A_373 = arith.constant 16 : index
    %get3A_374 = tpu.vector_load %arg9[%get3A_373] {strides = array<i32>} : memref<1024xf32, #tpu.memory_space<vmem>>, vector<16xf32>,
    %get3A_375 = arith.constant 16 : index
    %get3A_376 = tpu.vector_load %arg10[%get3A_375] {strides = array<i32>} : memref<1024xf32, #tpu.memory_space<vmem>>, vector<16xf32>,
    %get3A_377 = arith.constant 80 : index
    %get3A_378 = tpu.vector_load %arg9[%get3A_377] {strides = array<i32>} : memref<1024xf32, #tpu.memory_space<vmem>>, vector<16xf32>,
    %add3A_379 = arith.addf %get3A_374, %get3A_378 : vector<16xf32>
    %get3A_380 = arith.constant 80 : index
    %get3A_381 = tpu.vector_load %arg10[%get3A_380] {strides = array<i32>} : memref<1024xf32, #tpu.memory_space<vmem>>, vector<16xf32>,
    %add3A_382 = arith.addf %get3A_376, %get3A_381 : vector<16xf32>
    %get3A_383 = arith.constant 144 : index
    %get3A_384 = tpu.vector_load %arg9[%get3A_383] {strides = array<i32>} : memref<1024xf32, #tpu.memory_space<vmem>>, vector<16xf32>,
    %add3A_385 = arith.addf %add3A_379, %get3A_384 : vector<16xf32>
    %get3A_386 = arith.constant 144 : index
    %get3A_387 = tpu.vector_load %arg10[%get3A_386] {strides = array<i32>} : memref<1024xf32, #tpu.memory_space<vmem>>, vector<16xf32>,
    %add3A_388 = arith.addf %add3A_382, %get3A_387 : vector<16xf32>
    %get3A_389 = arith.constant 208 : index
    %get3A_390 = tpu.vector_load %arg9[%get3A_389] {strides = array<i32>} : memref<1024xf32, #tpu.memory_space<vmem>>, vector<16xf32>,
    %add3A_391 = arith.addf %add3A_385, %get3A_390 : vector<16xf32>
    %get3A_392 = arith.constant 208 : index
    %get3A_393 = tpu.vector_load %arg10[%get3A_392] {strides = array<i32>} : memref<1024xf32, #tpu.memory_space<vmem>>, vector<16xf32>,
    %add3A_394 = arith.addf %add3A_388, %get3A_393 : vector<16xf32>
    %get3A_395 = arith.constant 272 : index
    %get3A_396 = tpu.vector_load %arg9[%get3A_395] {strides = array<i32>} : memref<1024xf32, #tpu.memory_space<vmem>>, vector<16xf32>,
    %add3A_397 = arith.addf %add3A_391, %get3A_396 : vector<16xf32>
    %get3A_398 = arith.constant 272 : index
    %get3A_399 = tpu.vector_load %arg10[%get3A_398] {strides = array<i32>} : memref<1024xf32, #tpu.memory_space<vmem>>, vector<16xf32>,
    %add3A_400 = arith.addf %add3A_394, %get3A_399 : vector<16xf32>
    %get3A_401 = arith.constant 336 : index
    %get3A_402 = tpu.vector_load %arg9[%get3A_401] {strides = array<i32>} : memref<1024xf32, #tpu.memory_space<vmem>>, vector<16xf32>,
    %add3A_403 = arith.addf %add3A_397, %get3A_402 : vector<16xf32>
    %get3A_404 = arith.constant 336 : index
    %get3A_405 = tpu.vector_load %arg10[%get3A_404] {strides = array<i32>} : memref<1024xf32, #tpu.memory_space<vmem>>, vector<16xf32>,
    %add3A_406 = arith.addf %add3A_400, %get3A_405 : vector<16xf32>
    %get3A_407 = arith.constant 400 : index
    %get3A_408 = tpu.vector_load %arg9[%get3A_407] {strides = array<i32>} : memref<1024xf32, #tpu.memory_space<vmem>>, vector<16xf32>,
    %add3A_409 = arith.addf %add3A_403, %get3A_408 : vector<16xf32>
    %get3A_410 = arith.constant 400 : index
    %get3A_411 = tpu.vector_load %arg10[%get3A_410] {strides = array<i32>} : memref<1024xf32, #tpu.memory_space<vmem>>, vector<16xf32>,
    %add3A_412 = arith.addf %add3A_406, %get3A_411 : vector<16xf32>
    %get3A_413 = arith.constant 464 : index
    %get3A_414 = tpu.vector_load %arg9[%get3A_413] {strides = array<i32>} : memref<1024xf32, #tpu.memory_space<vmem>>, vector<16xf32>,
    %add3A_415 = arith.addf %add3A_409, %get3A_414 : vector<16xf32>
    %get3A_416 = arith.constant 464 : index
    %get3A_417 = tpu.vector_load %arg10[%get3A_416] {strides = array<i32>} : memref<1024xf32, #tpu.memory_space<vmem>>, vector<16xf32>,
    %add3A_418 = arith.addf %add3A_412, %get3A_417 : vector<16xf32>
    %get3A_419 = arith.constant 528 : index
    %get3A_420 = tpu.vector_load %arg9[%get3A_419] {strides = array<i32>} : memref<1024xf32, #tpu.memory_space<vmem>>, vector<16xf32>,
    %add3A_421 = arith.addf %add3A_415, %get3A_420 : vector<16xf32>
    %get3A_422 = arith.constant 528 : index
    %get3A_423 = tpu.vector_load %arg10[%get3A_422] {strides = array<i32>} : memref<1024xf32, #tpu.memory_space<vmem>>, vector<16xf32>,
    %add3A_424 = arith.addf %add3A_418, %get3A_423 : vector<16xf32>
    %get3A_425 = arith.constant 592 : index
    %get3A_426 = tpu.vector_load %arg9[%get3A_425] {strides = array<i32>} : memref<1024xf32, #tpu.memory_space<vmem>>, vector<16xf32>,
    %add3A_427 = arith.addf %add3A_421, %get3A_426 : vector<16xf32>
    %get3A_428 = arith.constant 592 : index
    %get3A_429 = tpu.vector_load %arg10[%get3A_428] {strides = array<i32>} : memref<1024xf32, #tpu.memory_space<vmem>>, vector<16xf32>,
    %add3A_430 = arith.addf %add3A_424, %get3A_429 : vector<16xf32>
    %get3A_431 = arith.constant 656 : index
    %get3A_432 = tpu.vector_load %arg9[%get3A_431] {strides = array<i32>} : memref<1024xf32, #tpu.memory_space<vmem>>, vector<16xf32>,
    %add3A_433 = arith.addf %add3A_427, %get3A_432 : vector<16xf32>
    %get3A_434 = arith.constant 656 : index
    %get3A_435 = tpu.vector_load %arg10[%get3A_434] {strides = array<i32>} : memref<1024xf32, #tpu.memory_space<vmem>>, vector<16xf32>,
    %add3A_436 = arith.addf %add3A_430, %get3A_435 : vector<16xf32>
    %get3A_437 = arith.constant 720 : index
    %get3A_438 = tpu.vector_load %arg9[%get3A_437] {strides = array<i32>} : memref<1024xf32, #tpu.memory_space<vmem>>, vector<16xf32>,
    %add3A_439 = arith.addf %add3A_433, %get3A_438 : vector<16xf32>
    %get3A_440 = arith.constant 720 : index
    %get3A_441 = tpu.vector_load %arg10[%get3A_440] {strides = array<i32>} : memref<1024xf32, #tpu.memory_space<vmem>>, vector<16xf32>,
    %add3A_442 = arith.addf %add3A_436, %get3A_441 : vector<16xf32>
    %get3A_443 = arith.constant 784 : index
    %get3A_444 = tpu.vector_load %arg9[%get3A_443] {strides = array<i32>} : memref<1024xf32, #tpu.memory_space<vmem>>, vector<16xf32>,
    %add3A_445 = arith.addf %add3A_439, %get3A_444 : vector<16xf32>
    %get3A_446 = arith.constant 784 : index
    %get3A_447 = tpu.vector_load %arg10[%get3A_446] {strides = array<i32>} : memref<1024xf32, #tpu.memory_space<vmem>>, vector<16xf32>,
    %add3A_448 = arith.addf %add3A_442, %get3A_447 : vector<16xf32>
    %get3A_449 = arith.constant 848 : index
    %get3A_450 = tpu.vector_load %arg9[%get3A_449] {strides = array<i32>} : memref<1024xf32, #tpu.memory_space<vmem>>, vector<16xf32>,
    %add3A_451 = arith.addf %add3A_445, %get3A_450 : vector<16xf32>
    %get3A_452 = arith.constant 848 : index
    %get3A_453 = tpu.vector_load %arg10[%get3A_452] {strides = array<i32>} : memref<1024xf32, #tpu.memory_space<vmem>>, vector<16xf32>,
    %add3A_454 = arith.addf %add3A_448, %get3A_453 : vector<16xf32>
    %get3A_455 = arith.constant 912 : index
    %get3A_456 = tpu.vector_load %arg9[%get3A_455] {strides = array<i32>} : memref<1024xf32, #tpu.memory_space<vmem>>, vector<16xf32>,
    %add3A_457 = arith.addf %add3A_451, %get3A_456 : vector<16xf32>
    %get3A_458 = arith.constant 912 : index
    %get3A_459 = tpu.vector_load %arg10[%get3A_458] {strides = array<i32>} : memref<1024xf32, #tpu.memory_space<vmem>>, vector<16xf32>,
    %add3A_460 = arith.addf %add3A_454, %get3A_459 : vector<16xf32>
    %get3A_461 = arith.constant 976 : index
    %get3A_462 = tpu.vector_load %arg9[%get3A_461] {strides = array<i32>} : memref<1024xf32, #tpu.memory_space<vmem>>, vector<16xf32>,
    %add3A_463 = arith.addf %add3A_457, %get3A_462 : vector<16xf32>
    %get3A_464 = arith.constant 976 : index
    %get3A_465 = tpu.vector_load %arg10[%get3A_464] {strides = array<i32>} : memref<1024xf32, #tpu.memory_space<vmem>>, vector<16xf32>,
    %add3A_466 = arith.addf %add3A_460, %get3A_465 : vector<16xf32>
    %swap3A_467 = arith.constant 16 : index
    %swap3A_468 = tpu.vector_load %arg11[%swap3A_467] {strides = array<i32>} : memref<128xf32, #tpu.memory_space<vmem>>, vector<16xf32>,
    tpu.vector_store %arg11[%swap3A_467], %add3A_463 {strides = array<i32>} : memref<128xf32, #tpu.memory_space<vmem>>, vector<16xf32>,
    %swap3A_469 = arith.constant 80 : index
    %swap3A_470 = tpu.vector_load %arg11[%swap3A_469] {strides = array<i32>} : memref<128xf32, #tpu.memory_space<vmem>>, vector<16xf32>,
    tpu.vector_store %arg11[%swap3A_469], %add3A_466 {strides = array<i32>} : memref<128xf32, #tpu.memory_space<vmem>>, vector<16xf32>,
    %get3A_471 = arith.constant 32 : index
    %get3A_472 = tpu.vector_load %arg9[%get3A_471] {strides = array<i32>} : memref<1024xf32, #tpu.memory_space<vmem>>, vector<16xf32>,
    %get3A_473 = arith.constant 32 : index
    %get3A_474 = tpu.vector_load %arg10[%get3A_473] {strides = array<i32>} : memref<1024xf32, #tpu.memory_space<vmem>>, vector<16xf32>,
    %get3A_475 = arith.constant 96 : index
    %get3A_476 = tpu.vector_load %arg9[%get3A_475] {strides = array<i32>} : memref<1024xf32, #tpu.memory_space<vmem>>, vector<16xf32>,
    %add3A_477 = arith.addf %get3A_472, %get3A_476 : vector<16xf32>
    %get3A_478 = arith.constant 96 : index
    %get3A_479 = tpu.vector_load %arg10[%get3A_478] {strides = array<i32>} : memref<1024xf32, #tpu.memory_space<vmem>>, vector<16xf32>,
    %add3A_480 = arith.addf %get3A_474, %get3A_479 : vector<16xf32>
    %get3A_481 = arith.constant 160 : index
    %get3A_482 = tpu.vector_load %arg9[%get3A_481] {strides = array<i32>} : memref<1024xf32, #tpu.memory_space<vmem>>, vector<16xf32>,
    %add3A_483 = arith.addf %add3A_477, %get3A_482 : vector<16xf32>
    %get3A_484 = arith.constant 160 : index
    %get3A_485 = tpu.vector_load %arg10[%get3A_484] {strides = array<i32>} : memref<1024xf32, #tpu.memory_space<vmem>>, vector<16xf32>,
    %add3A_486 = arith.addf %add3A_480, %get3A_485 : vector<16xf32>
    %get3A_487 = arith.constant 224 : index
    %get3A_488 = tpu.vector_load %arg9[%get3A_487] {strides = array<i32>} : memref<1024xf32, #tpu.memory_space<vmem>>, vector<16xf32>,
    %add3A_489 = arith.addf %add3A_483, %get3A_488 : vector<16xf32>
    %get3A_490 = arith.constant 224 : index
    %get3A_491 = tpu.vector_load %arg10[%get3A_490] {strides = array<i32>} : memref<1024xf32, #tpu.memory_space<vmem>>, vector<16xf32>,
    %add3A_492 = arith.addf %add3A_486, %get3A_491 : vector<16xf32>
    %get3A_493 = arith.constant 288 : index
    %get3A_494 = tpu.vector_load %arg9[%get3A_493] {strides = array<i32>} : memref<1024xf32, #tpu.memory_space<vmem>>, vector<16xf32>,
    %add3A_495 = arith.addf %add3A_489, %get3A_494 : vector<16xf32>
    %get3A_496 = arith.constant 288 : index
    %get3A_497 = tpu.vector_load %arg10[%get3A_496] {strides = array<i32>} : memref<1024xf32, #tpu.memory_space<vmem>>, vector<16xf32>,
    %add3A_498 = arith.addf %add3A_492, %get3A_497 : vector<16xf32>
    %get3A_499 = arith.constant 352 : index
    %get3A_500 = tpu.vector_load %arg9[%get3A_499] {strides = array<i32>} : memref<1024xf32, #tpu.memory_space<vmem>>, vector<16xf32>,
    %add3A_501 = arith.addf %add3A_495, %get3A_500 : vector<16xf32>
    %get3A_502 = arith.constant 352 : index
    %get3A_503 = tpu.vector_load %arg10[%get3A_502] {strides = array<i32>} : memref<1024xf32, #tpu.memory_space<vmem>>, vector<16xf32>,
    %add3A_504 = arith.addf %add3A_498, %get3A_503 : vector<16xf32>
    %get3A_505 = arith.constant 416 : index
    %get3A_506 = tpu.vector_load %arg9[%get3A_505] {strides = array<i32>} : memref<1024xf32, #tpu.memory_space<vmem>>, vector<16xf32>,
    %add3A_507 = arith.addf %add3A_501, %get3A_506 : vector<16xf32>
    %get3A_508 = arith.constant 416 : index
    %get3A_509 = tpu.vector_load %arg10[%get3A_508] {strides = array<i32>} : memref<1024xf32, #tpu.memory_space<vmem>>, vector<16xf32>,
    %add3A_510 = arith.addf %add3A_504, %get3A_509 : vector<16xf32>
    %get3A_511 = arith.constant 480 : index
    %get3A_512 = tpu.vector_load %arg9[%get3A_511] {strides = array<i32>} : memref<1024xf32, #tpu.memory_space<vmem>>, vector<16xf32>,
    %add3A_513 = arith.addf %add3A_507, %get3A_512 : vector<16xf32>
    %get3A_514 = arith.constant 480 : index
    %get3A_515 = tpu.vector_load %arg10[%get3A_514] {strides = array<i32>} : memref<1024xf32, #tpu.memory_space<vmem>>, vector<16xf32>,
    %add3A_516 = arith.addf %add3A_510, %get3A_515 : vector<16xf32>
    %get3A_517 = arith.constant 544 : index
    %get3A_518 = tpu.vector_load %arg9[%get3A_517] {strides = array<i32>} : memref<1024xf32, #tpu.memory_space<vmem>>, vector<16xf32>,
    %add3A_519 = arith.addf %add3A_513, %get3A_518 : vector<16xf32>
    %get3A_520 = arith.constant 544 : index
    %get3A_521 = tpu.vector_load %arg10[%get3A_520] {strides = array<i32>} : memref<1024xf32, #tpu.memory_space<vmem>>, vector<16xf32>,
    %add3A_522 = arith.addf %add3A_516, %get3A_521 : vector<16xf32>
    %get3A_523 = arith.constant 608 : index
    %get3A_524 = tpu.vector_load %arg9[%get3A_523] {strides = array<i32>} : memref<1024xf32, #tpu.memory_space<vmem>>, vector<16xf32>,
    %add3A_525 = arith.addf %add3A_519, %get3A_524 : vector<16xf32>
    %get3A_526 = arith.constant 608 : index
    %get3A_527 = tpu.vector_load %arg10[%get3A_526] {strides = array<i32>} : memref<1024xf32, #tpu.memory_space<vmem>>, vector<16xf32>,
    %add3A_528 = arith.addf %add3A_522, %get3A_527 : vector<16xf32>
    %get3A_529 = arith.constant 672 : index
    %get3A_530 = tpu.vector_load %arg9[%get3A_529] {strides = array<i32>} : memref<1024xf32, #tpu.memory_space<vmem>>, vector<16xf32>,
    %add3A_531 = arith.addf %add3A_525, %get3A_530 : vector<16xf32>
    %get3A_532 = arith.constant 672 : index
    %get3A_533 = tpu.vector_load %arg10[%get3A_532] {strides = array<i32>} : memref<1024xf32, #tpu.memory_space<vmem>>, vector<16xf32>,
    %add3A_534 = arith.addf %add3A_528, %get3A_533 : vector<16xf32>
    %get3A_535 = arith.constant 736 : index
    %get3A_536 = tpu.vector_load %arg9[%get3A_535] {strides = array<i32>} : memref<1024xf32, #tpu.memory_space<vmem>>, vector<16xf32>,
    %add3A_537 = arith.addf %add3A_531, %get3A_536 : vector<16xf32>
    %get3A_538 = arith.constant 736 : index
    %get3A_539 = tpu.vector_load %arg10[%get3A_538] {strides = array<i32>} : memref<1024xf32, #tpu.memory_space<vmem>>, vector<16xf32>,
    %add3A_540 = arith.addf %add3A_534, %get3A_539 : vector<16xf32>
    %get3A_541 = arith.constant 800 : index
    %get3A_542 = tpu.vector_load %arg9[%get3A_541] {strides = array<i32>} : memref<1024xf32, #tpu.memory_space<vmem>>, vector<16xf32>,
    %add3A_543 = arith.addf %add3A_537, %get3A_542 : vector<16xf32>
    %get3A_544 = arith.constant 800 : index
    %get3A_545 = tpu.vector_load %arg10[%get3A_544] {strides = array<i32>} : memref<1024xf32, #tpu.memory_space<vmem>>, vector<16xf32>,
    %add3A_546 = arith.addf %add3A_540, %get3A_545 : vector<16xf32>
    %get3A_547 = arith.constant 864 : index
    %get3A_548 = tpu.vector_load %arg9[%get3A_547] {strides = array<i32>} : memref<1024xf32, #tpu.memory_space<vmem>>, vector<16xf32>,
    %add3A_549 = arith.addf %add3A_543, %get3A_548 : vector<16xf32>
    %get3A_550 = arith.constant 864 : index
    %get3A_551 = tpu.vector_load %arg10[%get3A_550] {strides = array<i32>} : memref<1024xf32, #tpu.memory_space<vmem>>, vector<16xf32>,
    %add3A_552 = arith.addf %add3A_546, %get3A_551 : vector<16xf32>
    %get3A_553 = arith.constant 928 : index
    %get3A_554 = tpu.vector_load %arg9[%get3A_553] {strides = array<i32>} : memref<1024xf32, #tpu.memory_space<vmem>>, vector<16xf32>,
    %add3A_555 = arith.addf %add3A_549, %get3A_554 : vector<16xf32>
    %get3A_556 = arith.constant 928 : index
    %get3A_557 = tpu.vector_load %arg10[%get3A_556] {strides = array<i32>} : memref<1024xf32, #tpu.memory_space<vmem>>, vector<16xf32>,
    %add3A_558 = arith.addf %add3A_552, %get3A_557 : vector<16xf32>
    %get3A_559 = arith.constant 992 : index
    %get3A_560 = tpu.vector_load %arg9[%get3A_559] {strides = array<i32>} : memref<1024xf32, #tpu.memory_space<vmem>>, vector<16xf32>,
    %add3A_561 = arith.addf %add3A_555, %get3A_560 : vector<16xf32>
    %get3A_562 = arith.constant 992 : index
    %get3A_563 = tpu.vector_load %arg10[%get3A_562] {strides = array<i32>} : memref<1024xf32, #tpu.memory_space<vmem>>, vector<16xf32>,
    %add3A_564 = arith.addf %add3A_558, %get3A_563 : vector<16xf32>
    %swap3A_565 = arith.constant 32 : index
    %swap3A_566 = tpu.vector_load %arg11[%swap3A_565] {strides = array<i32>} : memref<128xf32, #tpu.memory_space<vmem>>, vector<16xf32>,
    tpu.vector_store %arg11[%swap3A_565], %add3A_561 {strides = array<i32>} : memref<128xf32, #tpu.memory_space<vmem>>, vector<16xf32>,
    %swap3A_567 = arith.constant 96 : index
    %swap3A_568 = tpu.vector_load %arg11[%swap3A_567] {strides = array<i32>} : memref<128xf32, #tpu.memory_space<vmem>>, vector<16xf32>,
    tpu.vector_store %arg11[%swap3A_567], %add3A_564 {strides = array<i32>} : memref<128xf32, #tpu.memory_space<vmem>>, vector<16xf32>,
    %get3A_569 = arith.constant 48 : index
    %get3A_570 = tpu.vector_load %arg9[%get3A_569] {strides = array<i32>} : memref<1024xf32, #tpu.memory_space<vmem>>, vector<16xf32>,
    %get3A_571 = arith.constant 48 : index
    %get3A_572 = tpu.vector_load %arg10[%get3A_571] {strides = array<i32>} : memref<1024xf32, #tpu.memory_space<vmem>>, vector<16xf32>,
    %get3A_573 = arith.constant 112 : index
    %get3A_574 = tpu.vector_load %arg9[%get3A_573] {strides = array<i32>} : memref<1024xf32, #tpu.memory_space<vmem>>, vector<16xf32>,
    %add3A_575 = arith.addf %get3A_570, %get3A_574 : vector<16xf32>
    %get3A_576 = arith.constant 112 : index
    %get3A_577 = tpu.vector_load %arg10[%get3A_576] {strides = array<i32>} : memref<1024xf32, #tpu.memory_space<vmem>>, vector<16xf32>,
    %add3A_578 = arith.addf %get3A_572, %get3A_577 : vector<16xf32>
    %get3A_579 = arith.constant 176 : index
    %get3A_580 = tpu.vector_load %arg9[%get3A_579] {strides = array<i32>} : memref<1024xf32, #tpu.memory_space<vmem>>, vector<16xf32>,
    %add3A_581 = arith.addf %add3A_575, %get3A_580 : vector<16xf32>
    %get3A_582 = arith.constant 176 : index
    %get3A_583 = tpu.vector_load %arg10[%get3A_582] {strides = array<i32>} : memref<1024xf32, #tpu.memory_space<vmem>>, vector<16xf32>,
    %add3A_584 = arith.addf %add3A_578, %get3A_583 : vector<16xf32>
    %get3A_585 = arith.constant 240 : index
    %get3A_586 = tpu.vector_load %arg9[%get3A_585] {strides = array<i32>} : memref<1024xf32, #tpu.memory_space<vmem>>, vector<16xf32>,
    %add3A_587 = arith.addf %add3A_581, %get3A_586 : vector<16xf32>
    %get3A_588 = arith.constant 240 : index
    %get3A_589 = tpu.vector_load %arg10[%get3A_588] {strides = array<i32>} : memref<1024xf32, #tpu.memory_space<vmem>>, vector<16xf32>,
    %add3A_590 = arith.addf %add3A_584, %get3A_589 : vector<16xf32>
    %get3A_591 = arith.constant 304 : index
    %get3A_592 = tpu.vector_load %arg9[%get3A_591] {strides = array<i32>} : memref<1024xf32, #tpu.memory_space<vmem>>, vector<16xf32>,
    %add3A_593 = arith.addf %add3A_587, %get3A_592 : vector<16xf32>
    %get3A_594 = arith.constant 304 : index
    %get3A_595 = tpu.vector_load %arg10[%get3A_594] {strides = array<i32>} : memref<1024xf32, #tpu.memory_space<vmem>>, vector<16xf32>,
    %add3A_596 = arith.addf %add3A_590, %get3A_595 : vector<16xf32>
    %get3A_597 = arith.constant 368 : index
    %get3A_598 = tpu.vector_load %arg9[%get3A_597] {strides = array<i32>} : memref<1024xf32, #tpu.memory_space<vmem>>, vector<16xf32>,
    %add3A_599 = arith.addf %add3A_593, %get3A_598 : vector<16xf32>
    %get3A_600 = arith.constant 368 : index
    %get3A_601 = tpu.vector_load %arg10[%get3A_600] {strides = array<i32>} : memref<1024xf32, #tpu.memory_space<vmem>>, vector<16xf32>,
    %add3A_602 = arith.addf %add3A_596, %get3A_601 : vector<16xf32>
    %get3A_603 = arith.constant 432 : index
    %get3A_604 = tpu.vector_load %arg9[%get3A_603] {strides = array<i32>} : memref<1024xf32, #tpu.memory_space<vmem>>, vector<16xf32>,
    %add3A_605 = arith.addf %add3A_599, %get3A_604 : vector<16xf32>
    %get3A_606 = arith.constant 432 : index
    %get3A_607 = tpu.vector_load %arg10[%get3A_606] {strides = array<i32>} : memref<1024xf32, #tpu.memory_space<vmem>>, vector<16xf32>,
    %add3A_608 = arith.addf %add3A_602, %get3A_607 : vector<16xf32>
    %get3A_609 = arith.constant 496 : index
    %get3A_610 = tpu.vector_load %arg9[%get3A_609] {strides = array<i32>} : memref<1024xf32, #tpu.memory_space<vmem>>, vector<16xf32>,
    %add3A_611 = arith.addf %add3A_605, %get3A_610 : vector<16xf32>
    %get3A_612 = arith.constant 496 : index
    %get3A_613 = tpu.vector_load %arg10[%get3A_612] {strides = array<i32>} : memref<1024xf32, #tpu.memory_space<vmem>>, vector<16xf32>,
    %add3A_614 = arith.addf %add3A_608, %get3A_613 : vector<16xf32>
    %get3A_615 = arith.constant 560 : index
    %get3A_616 = tpu.vector_load %arg9[%get3A_615] {strides = array<i32>} : memref<1024xf32, #tpu.memory_space<vmem>>, vector<16xf32>,
    %add3A_617 = arith.addf %add3A_611, %get3A_616 : vector<16xf32>
    %get3A_618 = arith.constant 560 : index
    %get3A_619 = tpu.vector_load %arg10[%get3A_618] {strides = array<i32>} : memref<1024xf32, #tpu.memory_space<vmem>>, vector<16xf32>,
    %add3A_620 = arith.addf %add3A_614, %get3A_619 : vector<16xf32>
    %get3A_621 = arith.constant 624 : index
    %get3A_622 = tpu.vector_load %arg9[%get3A_621] {strides = array<i32>} : memref<1024xf32, #tpu.memory_space<vmem>>, vector<16xf32>,
    %add3A_623 = arith.addf %add3A_617, %get3A_622 : vector<16xf32>
    %get3A_624 = arith.constant 624 : index
    %get3A_625 = tpu.vector_load %arg10[%get3A_624] {strides = array<i32>} : memref<1024xf32, #tpu.memory_space<vmem>>, vector<16xf32>,
    %add3A_626 = arith.addf %add3A_620, %get3A_625 : vector<16xf32>
    %get3A_627 = arith.constant 688 : index
    %get3A_628 = tpu.vector_load %arg9[%get3A_627] {strides = array<i32>} : memref<1024xf32, #tpu.memory_space<vmem>>, vector<16xf32>,
    %add3A_629 = arith.addf %add3A_623, %get3A_628 : vector<16xf32>
    %get3A_630 = arith.constant 688 : index
    %get3A_631 = tpu.vector_load %arg10[%get3A_630] {strides = array<i32>} : memref<1024xf32, #tpu.memory_space<vmem>>, vector<16xf32>,
    %add3A_632 = arith.addf %add3A_626, %get3A_631 : vector<16xf32>
    %get3A_633 = arith.constant 752 : index
    %get3A_634 = tpu.vector_load %arg9[%get3A_633] {strides = array<i32>} : memref<1024xf32, #tpu.memory_space<vmem>>, vector<16xf32>,
    %add3A_635 = arith.addf %add3A_629, %get3A_634 : vector<16xf32>
    %get3A_636 = arith.constant 752 : index
    %get3A_637 = tpu.vector_load %arg10[%get3A_636] {strides = array<i32>} : memref<1024xf32, #tpu.memory_space<vmem>>, vector<16xf32>,
    %add3A_638 = arith.addf %add3A_632, %get3A_637 : vector<16xf32>
    %get3A_639 = arith.constant 816 : index
    %get3A_640 = tpu.vector_load %arg9[%get3A_639] {strides = array<i32>} : memref<1024xf32, #tpu.memory_space<vmem>>, vector<16xf32>,
    %add3A_641 = arith.addf %add3A_635, %get3A_640 : vector<16xf32>
    %get3A_642 = arith.constant 816 : index
    %get3A_643 = tpu.vector_load %arg10[%get3A_642] {strides = array<i32>} : memref<1024xf32, #tpu.memory_space<vmem>>, vector<16xf32>,
    %add3A_644 = arith.addf %add3A_638, %get3A_643 : vector<16xf32>
    %get3A_645 = arith.constant 880 : index
    %get3A_646 = tpu.vector_load %arg9[%get3A_645] {strides = array<i32>} : memref<1024xf32, #tpu.memory_space<vmem>>, vector<16xf32>,
    %add3A_647 = arith.addf %add3A_641, %get3A_646 : vector<16xf32>
    %get3A_648 = arith.constant 880 : index
    %get3A_649 = tpu.vector_load %arg10[%get3A_648] {strides = array<i32>} : memref<1024xf32, #tpu.memory_space<vmem>>, vector<16xf32>,
    %add3A_650 = arith.addf %add3A_644, %get3A_649 : vector<16xf32>
    %get3A_651 = arith.constant 944 : index
    %get3A_652 = tpu.vector_load %arg9[%get3A_651] {strides = array<i32>} : memref<1024xf32, #tpu.memory_space<vmem>>, vector<16xf32>,
    %add3A_653 = arith.addf %add3A_647, %get3A_652 : vector<16xf32>
    %get3A_654 = arith.constant 944 : index
    %get3A_655 = tpu.vector_load %arg10[%get3A_654] {strides = array<i32>} : memref<1024xf32, #tpu.memory_space<vmem>>, vector<16xf32>,
    %add3A_656 = arith.addf %add3A_650, %get3A_655 : vector<16xf32>
    %get3A_657 = arith.constant 1008 : index
    %get3A_658 = tpu.vector_load %arg9[%get3A_657] {strides = array<i32>} : memref<1024xf32, #tpu.memory_space<vmem>>, vector<16xf32>,
    %add3A_659 = arith.addf %add3A_653, %get3A_658 : vector<16xf32>
    %get3A_660 = arith.constant 1008 : index
    %get3A_661 = tpu.vector_load %arg10[%get3A_660] {strides = array<i32>} : memref<1024xf32, #tpu.memory_space<vmem>>, vector<16xf32>,
    %add3A_662 = arith.addf %add3A_656, %get3A_661 : vector<16xf32>
    %swap3A_663 = arith.constant 48 : index
    %swap3A_664 = tpu.vector_load %arg11[%swap3A_663] {strides = array<i32>} : memref<128xf32, #tpu.memory_space<vmem>>, vector<16xf32>,
    tpu.vector_store %arg11[%swap3A_663], %add3A_659 {strides = array<i32>} : memref<128xf32, #tpu.memory_space<vmem>>, vector<16xf32>,
    %swap3A_665 = arith.constant 112 : index
    %swap3A_666 = tpu.vector_load %arg11[%swap3A_665] {strides = array<i32>} : memref<128xf32, #tpu.memory_space<vmem>>, vector<16xf32>,
    tpu.vector_store %arg11[%swap3A_665], %add3A_662 {strides = array<i32>} : memref<128xf32, #tpu.memory_space<vmem>>, vector<16xf32>,
    %mul3A_667 = arith.constant 2 : i32
    %mul3A_668 = arith.muli %arg1, %mul3A_667 : i32
    %mul3A_669 = arith.constant 64 : i32
    %mul3A_670 = arith.muli %mul3A_668, %mul3A_669 : i32
    %dma_start3A_671 = tpu.memref_slice %arg14[%mul3A_670] : memref<2048xf32, #tpu.memory_space<vmem_shared>> -> memref<128xf32, #tpu.memory_space<vmem_shared>>
    %dma_start3A_672 = tpu.memref_slice %arg14[%mul3A_670] : memref<2048xf32, #tpu.memory_space<vmem_shared>> -> memref<128xf32, #tpu.memory_space<vmem_shared>>
    tpu.enqueue_dma source(%arg11 : memref<128xf32, #tpu.memory_space<vmem>>) target(%dma_start3A_672 : memref<128xf32, #tpu.memory_space<vmem_shared>>) target_semaphore(%arg15 : memref<!tpu.dma_semaphore, #tpu.memory_space<semaphore_mem>>)
    %mul3A_673 = arith.constant 2 : i32
    %mul3A_674 = arith.muli %arg1, %mul3A_673 : i32
    %mul3A_675 = arith.constant 64 : i32
    %mul3A_676 = arith.muli %mul3A_674, %mul3A_675 : i32
    %dma_wait3A_677 = tpu.memref_slice %arg14[%mul3A_676] : memref<2048xf32, #tpu.memory_space<vmem_shared>> -> memref<128xf32, #tpu.memory_space<vmem_shared>>
    %dma_wait3A_678 = tpu.memref_slice %arg14[%mul3A_676] : memref<2048xf32, #tpu.memory_space<vmem_shared>> -> memref<128xf32, #tpu.memory_space<vmem_shared>>
    tpu.wait_dma2 semaphore(%arg15 : memref<!tpu.dma_semaphore, #tpu.memory_space<semaphore_mem>>) src(%arg11 : memref<128xf32, #tpu.memory_space<vmem>>) dst(%dma_wait3A_678 : memref<128xf32, #tpu.memory_space<vmem_shared>>)
    %barrier3A = arith.constant 0 : index
    tpu.barrier barrier_id(%barrier3A)
    %eq3A = arith.constant 0 : i32
    %eq3A_679 = arith.cmpi eq, %arg1, %eq3A : i32
    %convert_element_type3A = arith.extui %eq3A_679 : i1 to i32
    %cond3A = arith.constant 0 : i32
    %cond3A_680 = arith.cmpi ne, %convert_element_type3A, %cond3A : i32
    scf.if %cond3A_680 {
      tpu.enqueue_dma source(%arg14 : memref<2048xf32, #tpu.memory_space<vmem_shared>>) target(%arg12 : memref<2048xf32, #tpu.memory_space<vmem>>) target_semaphore(%arg15 : memref<!tpu.dma_semaphore, #tpu.memory_space<semaphore_mem>>)
      tpu.wait_dma2 semaphore(%arg15 : memref<!tpu.dma_semaphore, #tpu.memory_space<semaphore_mem>>) src(%arg14 : memref<2048xf32, #tpu.memory_space<vmem_shared>>) dst(%arg12 : memref<2048xf32, #tpu.memory_space<vmem>>)
      %get3A_681 = arith.constant 0 : index
      %get3A_682 = tpu.vector_load %arg12[%get3A_681] {strides = array<i32>} : memref<2048xf32, #tpu.memory_space<vmem>>, vector<16xf32>,
      %get3A_683 = arith.constant 64 : index
      %get3A_684 = tpu.vector_load %arg12[%get3A_683] {strides = array<i32>} : memref<2048xf32, #tpu.memory_space<vmem>>, vector<16xf32>,
      %get3A_685 = arith.constant 128 : index
      %get3A_686 = tpu.vector_load %arg12[%get3A_685] {strides = array<i32>} : memref<2048xf32, #tpu.memory_space<vmem>>, vector<16xf32>,
      %add3A_687 = arith.addf %get3A_682, %get3A_686 : vector<16xf32>
      %get3A_688 = arith.constant 192 : index
      %get3A_689 = tpu.vector_load %arg12[%get3A_688] {strides = array<i32>} : memref<2048xf32, #tpu.memory_space<vmem>>, vector<16xf32>,
      %add3A_690 = arith.addf %get3A_684, %get3A_689 : vector<16xf32>
      %get3A_691 = arith.constant 256 : index
      %get3A_692 = tpu.vector_load %arg12[%get3A_691] {strides = array<i32>} : memref<2048xf32, #tpu.memory_space<vmem>>, vector<16xf32>,
      %add3A_693 = arith.addf %add3A_687, %get3A_692 : vector<16xf32>
      %get3A_694 = arith.constant 320 : index
      %get3A_695 = tpu.vector_load %arg12[%get3A_694] {strides = array<i32>} : memref<2048xf32, #tpu.memory_space<vmem>>, vector<16xf32>,
      %add3A_696 = arith.addf %add3A_690, %get3A_695 : vector<16xf32>
      %get3A_697 = arith.constant 384 : index
      %get3A_698 = tpu.vector_load %arg12[%get3A_697] {strides = array<i32>} : memref<2048xf32, #tpu.memory_space<vmem>>, vector<16xf32>,
      %add3A_699 = arith.addf %add3A_693, %get3A_698 : vector<16xf32>
      %get3A_700 = arith.constant 448 : index
      %get3A_701 = tpu.vector_load %arg12[%get3A_700] {strides = array<i32>} : memref<2048xf32, #tpu.memory_space<vmem>>, vector<16xf32>,
      %add3A_702 = arith.addf %add3A_696, %get3A_701 : vector<16xf32>
      %get3A_703 = arith.constant 512 : index
      %get3A_704 = tpu.vector_load %arg12[%get3A_703] {strides = array<i32>} : memref<2048xf32, #tpu.memory_space<vmem>>, vector<16xf32>,
      %add3A_705 = arith.addf %add3A_699, %get3A_704 : vector<16xf32>
      %get3A_706 = arith.constant 576 : index
      %get3A_707 = tpu.vector_load %arg12[%get3A_706] {strides = array<i32>} : memref<2048xf32, #tpu.memory_space<vmem>>, vector<16xf32>,
      %add3A_708 = arith.addf %add3A_702, %get3A_707 : vector<16xf32>
      %get3A_709 = arith.constant 640 : index
      %get3A_710 = tpu.vector_load %arg12[%get3A_709] {strides = array<i32>} : memref<2048xf32, #tpu.memory_space<vmem>>, vector<16xf32>,
      %add3A_711 = arith.addf %add3A_705, %get3A_710 : vector<16xf32>
      %get3A_712 = arith.constant 704 : index
      %get3A_713 = tpu.vector_load %arg12[%get3A_712] {strides = array<i32>} : memref<2048xf32, #tpu.memory_space<vmem>>, vector<16xf32>,
      %add3A_714 = arith.addf %add3A_708, %get3A_713 : vector<16xf32>
      %get3A_715 = arith.constant 768 : index
      %get3A_716 = tpu.vector_load %arg12[%get3A_715] {strides = array<i32>} : memref<2048xf32, #tpu.memory_space<vmem>>, vector<16xf32>,
      %add3A_717 = arith.addf %add3A_711, %get3A_716 : vector<16xf32>
      %get3A_718 = arith.constant 832 : index
      %get3A_719 = tpu.vector_load %arg12[%get3A_718] {strides = array<i32>} : memref<2048xf32, #tpu.memory_space<vmem>>, vector<16xf32>,
      %add3A_720 = arith.addf %add3A_714, %get3A_719 : vector<16xf32>
      %get3A_721 = arith.constant 896 : index
      %get3A_722 = tpu.vector_load %arg12[%get3A_721] {strides = array<i32>} : memref<2048xf32, #tpu.memory_space<vmem>>, vector<16xf32>,
      %add3A_723 = arith.addf %add3A_717, %get3A_722 : vector<16xf32>
      %get3A_724 = arith.constant 960 : index
      %get3A_725 = tpu.vector_load %arg12[%get3A_724] {strides = array<i32>} : memref<2048xf32, #tpu.memory_space<vmem>>, vector<16xf32>,
      %add3A_726 = arith.addf %add3A_720, %get3A_725 : vector<16xf32>
      %get3A_727 = arith.constant 1024 : index
      %get3A_728 = tpu.vector_load %arg12[%get3A_727] {strides = array<i32>} : memref<2048xf32, #tpu.memory_space<vmem>>, vector<16xf32>,
      %add3A_729 = arith.addf %add3A_723, %get3A_728 : vector<16xf32>
      %get3A_730 = arith.constant 1088 : index
      %get3A_731 = tpu.vector_load %arg12[%get3A_730] {strides = array<i32>} : memref<2048xf32, #tpu.memory_space<vmem>>, vector<16xf32>,
      %add3A_732 = arith.addf %add3A_726, %get3A_731 : vector<16xf32>
      %get3A_733 = arith.constant 1152 : index
      %get3A_734 = tpu.vector_load %arg12[%get3A_733] {strides = array<i32>} : memref<2048xf32, #tpu.memory_space<vmem>>, vector<16xf32>,
      %add3A_735 = arith.addf %add3A_729, %get3A_734 : vector<16xf32>
      %get3A_736 = arith.constant 1216 : index
      %get3A_737 = tpu.vector_load %arg12[%get3A_736] {strides = array<i32>} : memref<2048xf32, #tpu.memory_space<vmem>>, vector<16xf32>,
      %add3A_738 = arith.addf %add3A_732, %get3A_737 : vector<16xf32>
      %get3A_739 = arith.constant 1280 : index
      %get3A_740 = tpu.vector_load %arg12[%get3A_739] {strides = array<i32>} : memref<2048xf32, #tpu.memory_space<vmem>>, vector<16xf32>,
      %add3A_741 = arith.addf %add3A_735, %get3A_740 : vector<16xf32>
      %get3A_742 = arith.constant 1344 : index
      %get3A_743 = tpu.vector_load %arg12[%get3A_742] {strides = array<i32>} : memref<2048xf32, #tpu.memory_space<vmem>>, vector<16xf32>,
      %add3A_744 = arith.addf %add3A_738, %get3A_743 : vector<16xf32>
      %get3A_745 = arith.constant 1408 : index
      %get3A_746 = tpu.vector_load %arg12[%get3A_745] {strides = array<i32>} : memref<2048xf32, #tpu.memory_space<vmem>>, vector<16xf32>,
      %add3A_747 = arith.addf %add3A_741, %get3A_746 : vector<16xf32>
      %get3A_748 = arith.constant 1472 : index
      %get3A_749 = tpu.vector_load %arg12[%get3A_748] {strides = array<i32>} : memref<2048xf32, #tpu.memory_space<vmem>>, vector<16xf32>,
      %add3A_750 = arith.addf %add3A_744, %get3A_749 : vector<16xf32>
      %get3A_751 = arith.constant 1536 : index
      %get3A_752 = tpu.vector_load %arg12[%get3A_751] {strides = array<i32>} : memref<2048xf32, #tpu.memory_space<vmem>>, vector<16xf32>,
      %add3A_753 = arith.addf %add3A_747, %get3A_752 : vector<16xf32>
      %get3A_754 = arith.constant 1600 : index
      %get3A_755 = tpu.vector_load %arg12[%get3A_754] {strides = array<i32>} : memref<2048xf32, #tpu.memory_space<vmem>>, vector<16xf32>,
      %add3A_756 = arith.addf %add3A_750, %get3A_755 : vector<16xf32>
      %get3A_757 = arith.constant 1664 : index
      %get3A_758 = tpu.vector_load %arg12[%get3A_757] {strides = array<i32>} : memref<2048xf32, #tpu.memory_space<vmem>>, vector<16xf32>,
      %add3A_759 = arith.addf %add3A_753, %get3A_758 : vector<16xf32>
      %get3A_760 = arith.constant 1728 : index
      %get3A_761 = tpu.vector_load %arg12[%get3A_760] {strides = array<i32>} : memref<2048xf32, #tpu.memory_space<vmem>>, vector<16xf32>,
      %add3A_762 = arith.addf %add3A_756, %get3A_761 : vector<16xf32>
      %get3A_763 = arith.constant 1792 : index
      %get3A_764 = tpu.vector_load %arg12[%get3A_763] {strides = array<i32>} : memref<2048xf32, #tpu.memory_space<vmem>>, vector<16xf32>,
      %add3A_765 = arith.addf %add3A_759, %get3A_764 : vector<16xf32>
      %get3A_766 = arith.constant 1856 : index
      %get3A_767 = tpu.vector_load %arg12[%get3A_766] {strides = array<i32>} : memref<2048xf32, #tpu.memory_space<vmem>>, vector<16xf32>,
      %add3A_768 = arith.addf %add3A_762, %get3A_767 : vector<16xf32>
      %get3A_769 = arith.constant 1920 : index
      %get3A_770 = tpu.vector_load %arg12[%get3A_769] {strides = array<i32>} : memref<2048xf32, #tpu.memory_space<vmem>>, vector<16xf32>,
      %add3A_771 = arith.addf %add3A_765, %get3A_770 : vector<16xf32>
      %get3A_772 = arith.constant 1984 : index
      %get3A_773 = tpu.vector_load %arg12[%get3A_772] {strides = array<i32>} : memref<2048xf32, #tpu.memory_space<vmem>>, vector<16xf32>,
      %add3A_774 = arith.addf %add3A_768, %get3A_773 : vector<16xf32>
      %get3A_775 = arith.constant 16 : index
      %get3A_776 = tpu.vector_load %arg12[%get3A_775] {strides = array<i32>} : memref<2048xf32, #tpu.memory_space<vmem>>, vector<16xf32>,
      %get3A_777 = arith.constant 80 : index
      %get3A_778 = tpu.vector_load %arg12[%get3A_777] {strides = array<i32>} : memref<2048xf32, #tpu.memory_space<vmem>>, vector<16xf32>,
      %get3A_779 = arith.constant 144 : index
      %get3A_780 = tpu.vector_load %arg12[%get3A_779] {strides = array<i32>} : memref<2048xf32, #tpu.memory_space<vmem>>, vector<16xf32>,
      %add3A_781 = arith.addf %get3A_776, %get3A_780 : vector<16xf32>
      %get3A_782 = arith.constant 208 : index
      %get3A_783 = tpu.vector_load %arg12[%get3A_782] {strides = array<i32>} : memref<2048xf32, #tpu.memory_space<vmem>>, vector<16xf32>,
      %add3A_784 = arith.addf %get3A_778, %get3A_783 : vector<16xf32>
      %get3A_785 = arith.constant 272 : index
      %get3A_786 = tpu.vector_load %arg12[%get3A_785] {strides = array<i32>} : memref<2048xf32, #tpu.memory_space<vmem>>, vector<16xf32>,
      %add3A_787 = arith.addf %add3A_781, %get3A_786 : vector<16xf32>
      %get3A_788 = arith.constant 336 : index
      %get3A_789 = tpu.vector_load %arg12[%get3A_788] {strides = array<i32>} : memref<2048xf32, #tpu.memory_space<vmem>>, vector<16xf32>,
      %add3A_790 = arith.addf %add3A_784, %get3A_789 : vector<16xf32>
      %get3A_791 = arith.constant 400 : index
      %get3A_792 = tpu.vector_load %arg12[%get3A_791] {strides = array<i32>} : memref<2048xf32, #tpu.memory_space<vmem>>, vector<16xf32>,
      %add3A_793 = arith.addf %add3A_787, %get3A_792 : vector<16xf32>
      %get3A_794 = arith.constant 464 : index
      %get3A_795 = tpu.vector_load %arg12[%get3A_794] {strides = array<i32>} : memref<2048xf32, #tpu.memory_space<vmem>>, vector<16xf32>,
      %add3A_796 = arith.addf %add3A_790, %get3A_795 : vector<16xf32>
      %get3A_797 = arith.constant 528 : index
      %get3A_798 = tpu.vector_load %arg12[%get3A_797] {strides = array<i32>} : memref<2048xf32, #tpu.memory_space<vmem>>, vector<16xf32>,
      %add3A_799 = arith.addf %add3A_793, %get3A_798 : vector<16xf32>
      %get3A_800 = arith.constant 592 : index
      %get3A_801 = tpu.vector_load %arg12[%get3A_800] {strides = array<i32>} : memref<2048xf32, #tpu.memory_space<vmem>>, vector<16xf32>,
      %add3A_802 = arith.addf %add3A_796, %get3A_801 : vector<16xf32>
      %get3A_803 = arith.constant 656 : index
      %get3A_804 = tpu.vector_load %arg12[%get3A_803] {strides = array<i32>} : memref<2048xf32, #tpu.memory_space<vmem>>, vector<16xf32>,
      %add3A_805 = arith.addf %add3A_799, %get3A_804 : vector<16xf32>
      %get3A_806 = arith.constant 720 : index
      %get3A_807 = tpu.vector_load %arg12[%get3A_806] {strides = array<i32>} : memref<2048xf32, #tpu.memory_space<vmem>>, vector<16xf32>,
      %add3A_808 = arith.addf %add3A_802, %get3A_807 : vector<16xf32>
      %get3A_809 = arith.constant 784 : index
      %get3A_810 = tpu.vector_load %arg12[%get3A_809] {strides = array<i32>} : memref<2048xf32, #tpu.memory_space<vmem>>, vector<16xf32>,
      %add3A_811 = arith.addf %add3A_805, %get3A_810 : vector<16xf32>
      %get3A_812 = arith.constant 848 : index
      %get3A_813 = tpu.vector_load %arg12[%get3A_812] {strides = array<i32>} : memref<2048xf32, #tpu.memory_space<vmem>>, vector<16xf32>,
      %add3A_814 = arith.addf %add3A_808, %get3A_813 : vector<16xf32>
      %get3A_815 = arith.constant 912 : index
      %get3A_816 = tpu.vector_load %arg12[%get3A_815] {strides = array<i32>} : memref<2048xf32, #tpu.memory_space<vmem>>, vector<16xf32>,
      %add3A_817 = arith.addf %add3A_811, %get3A_816 : vector<16xf32>
      %get3A_818 = arith.constant 976 : index
      %get3A_819 = tpu.vector_load %arg12[%get3A_818] {strides = array<i32>} : memref<2048xf32, #tpu.memory_space<vmem>>, vector<16xf32>,
      %add3A_820 = arith.addf %add3A_814, %get3A_819 : vector<16xf32>
      %get3A_821 = arith.constant 1040 : index
      %get3A_822 = tpu.vector_load %arg12[%get3A_821] {strides = array<i32>} : memref<2048xf32, #tpu.memory_space<vmem>>, vector<16xf32>,
      %add3A_823 = arith.addf %add3A_817, %get3A_822 : vector<16xf32>
      %get3A_824 = arith.constant 1104 : index
      %get3A_825 = tpu.vector_load %arg12[%get3A_824] {strides = array<i32>} : memref<2048xf32, #tpu.memory_space<vmem>>, vector<16xf32>,
      %add3A_826 = arith.addf %add3A_820, %get3A_825 : vector<16xf32>
      %get3A_827 = arith.constant 1168 : index
      %get3A_828 = tpu.vector_load %arg12[%get3A_827] {strides = array<i32>} : memref<2048xf32, #tpu.memory_space<vmem>>, vector<16xf32>,
      %add3A_829 = arith.addf %add3A_823, %get3A_828 : vector<16xf32>
      %get3A_830 = arith.constant 1232 : index
      %get3A_831 = tpu.vector_load %arg12[%get3A_830] {strides = array<i32>} : memref<2048xf32, #tpu.memory_space<vmem>>, vector<16xf32>,
      %add3A_832 = arith.addf %add3A_826, %get3A_831 : vector<16xf32>
      %get3A_833 = arith.constant 1296 : index
      %get3A_834 = tpu.vector_load %arg12[%get3A_833] {strides = array<i32>} : memref<2048xf32, #tpu.memory_space<vmem>>, vector<16xf32>,
      %add3A_835 = arith.addf %add3A_829, %get3A_834 : vector<16xf32>
      %get3A_836 = arith.constant 1360 : index
      %get3A_837 = tpu.vector_load %arg12[%get3A_836] {strides = array<i32>} : memref<2048xf32, #tpu.memory_space<vmem>>, vector<16xf32>,
      %add3A_838 = arith.addf %add3A_832, %get3A_837 : vector<16xf32>
      %get3A_839 = arith.constant 1424 : index
      %get3A_840 = tpu.vector_load %arg12[%get3A_839] {strides = array<i32>} : memref<2048xf32, #tpu.memory_space<vmem>>, vector<16xf32>,
      %add3A_841 = arith.addf %add3A_835, %get3A_840 : vector<16xf32>
      %get3A_842 = arith.constant 1488 : index
      %get3A_843 = tpu.vector_load %arg12[%get3A_842] {strides = array<i32>} : memref<2048xf32, #tpu.memory_space<vmem>>, vector<16xf32>,
      %add3A_844 = arith.addf %add3A_838, %get3A_843 : vector<16xf32>
      %get3A_845 = arith.constant 1552 : index
      %get3A_846 = tpu.vector_load %arg12[%get3A_845] {strides = array<i32>} : memref<2048xf32, #tpu.memory_space<vmem>>, vector<16xf32>,
      %add3A_847 = arith.addf %add3A_841, %get3A_846 : vector<16xf32>
      %get3A_848 = arith.constant 1616 : index
      %get3A_849 = tpu.vector_load %arg12[%get3A_848] {strides = array<i32>} : memref<2048xf32, #tpu.memory_space<vmem>>, vector<16xf32>,
      %add3A_850 = arith.addf %add3A_844, %get3A_849 : vector<16xf32>
      %get3A_851 = arith.constant 1680 : index
      %get3A_852 = tpu.vector_load %arg12[%get3A_851] {strides = array<i32>} : memref<2048xf32, #tpu.memory_space<vmem>>, vector<16xf32>,
      %add3A_853 = arith.addf %add3A_847, %get3A_852 : vector<16xf32>
      %get3A_854 = arith.constant 1744 : index
      %get3A_855 = tpu.vector_load %arg12[%get3A_854] {strides = array<i32>} : memref<2048xf32, #tpu.memory_space<vmem>>, vector<16xf32>,
      %add3A_856 = arith.addf %add3A_850, %get3A_855 : vector<16xf32>
      %get3A_857 = arith.constant 1808 : index
      %get3A_858 = tpu.vector_load %arg12[%get3A_857] {strides = array<i32>} : memref<2048xf32, #tpu.memory_space<vmem>>, vector<16xf32>,
      %add3A_859 = arith.addf %add3A_853, %get3A_858 : vector<16xf32>
      %get3A_860 = arith.constant 1872 : index
      %get3A_861 = tpu.vector_load %arg12[%get3A_860] {strides = array<i32>} : memref<2048xf32, #tpu.memory_space<vmem>>, vector<16xf32>,
      %add3A_862 = arith.addf %add3A_856, %get3A_861 : vector<16xf32>
      %get3A_863 = arith.constant 1936 : index
      %get3A_864 = tpu.vector_load %arg12[%get3A_863] {strides = array<i32>} : memref<2048xf32, #tpu.memory_space<vmem>>, vector<16xf32>,
      %add3A_865 = arith.addf %add3A_859, %get3A_864 : vector<16xf32>
      %get3A_866 = arith.constant 2000 : index
      %get3A_867 = tpu.vector_load %arg12[%get3A_866] {strides = array<i32>} : memref<2048xf32, #tpu.memory_space<vmem>>, vector<16xf32>,
      %add3A_868 = arith.addf %add3A_862, %get3A_867 : vector<16xf32>
      %get3A_869 = arith.constant 32 : index
      %get3A_870 = tpu.vector_load %arg12[%get3A_869] {strides = array<i32>} : memref<2048xf32, #tpu.memory_space<vmem>>, vector<16xf32>,
      %get3A_871 = arith.constant 96 : index
      %get3A_872 = tpu.vector_load %arg12[%get3A_871] {strides = array<i32>} : memref<2048xf32, #tpu.memory_space<vmem>>, vector<16xf32>,
      %get3A_873 = arith.constant 160 : index
      %get3A_874 = tpu.vector_load %arg12[%get3A_873] {strides = array<i32>} : memref<2048xf32, #tpu.memory_space<vmem>>, vector<16xf32>,
      %add3A_875 = arith.addf %get3A_870, %get3A_874 : vector<16xf32>
      %get3A_876 = arith.constant 224 : index
      %get3A_877 = tpu.vector_load %arg12[%get3A_876] {strides = array<i32>} : memref<2048xf32, #tpu.memory_space<vmem>>, vector<16xf32>,
      %add3A_878 = arith.addf %get3A_872, %get3A_877 : vector<16xf32>
      %get3A_879 = arith.constant 288 : index
      %get3A_880 = tpu.vector_load %arg12[%get3A_879] {strides = array<i32>} : memref<2048xf32, #tpu.memory_space<vmem>>, vector<16xf32>,
      %add3A_881 = arith.addf %add3A_875, %get3A_880 : vector<16xf32>
      %get3A_882 = arith.constant 352 : index
      %get3A_883 = tpu.vector_load %arg12[%get3A_882] {strides = array<i32>} : memref<2048xf32, #tpu.memory_space<vmem>>, vector<16xf32>,
      %add3A_884 = arith.addf %add3A_878, %get3A_883 : vector<16xf32>
      %get3A_885 = arith.constant 416 : index
      %get3A_886 = tpu.vector_load %arg12[%get3A_885] {strides = array<i32>} : memref<2048xf32, #tpu.memory_space<vmem>>, vector<16xf32>,
      %add3A_887 = arith.addf %add3A_881, %get3A_886 : vector<16xf32>
      %get3A_888 = arith.constant 480 : index
      %get3A_889 = tpu.vector_load %arg12[%get3A_888] {strides = array<i32>} : memref<2048xf32, #tpu.memory_space<vmem>>, vector<16xf32>,
      %add3A_890 = arith.addf %add3A_884, %get3A_889 : vector<16xf32>
      %get3A_891 = arith.constant 544 : index
      %get3A_892 = tpu.vector_load %arg12[%get3A_891] {strides = array<i32>} : memref<2048xf32, #tpu.memory_space<vmem>>, vector<16xf32>,
      %add3A_893 = arith.addf %add3A_887, %get3A_892 : vector<16xf32>
      %get3A_894 = arith.constant 608 : index
      %get3A_895 = tpu.vector_load %arg12[%get3A_894] {strides = array<i32>} : memref<2048xf32, #tpu.memory_space<vmem>>, vector<16xf32>,
      %add3A_896 = arith.addf %add3A_890, %get3A_895 : vector<16xf32>
      %get3A_897 = arith.constant 672 : index
      %get3A_898 = tpu.vector_load %arg12[%get3A_897] {strides = array<i32>} : memref<2048xf32, #tpu.memory_space<vmem>>, vector<16xf32>,
      %add3A_899 = arith.addf %add3A_893, %get3A_898 : vector<16xf32>
      %get3A_900 = arith.constant 736 : index
      %get3A_901 = tpu.vector_load %arg12[%get3A_900] {strides = array<i32>} : memref<2048xf32, #tpu.memory_space<vmem>>, vector<16xf32>,
      %add3A_902 = arith.addf %add3A_896, %get3A_901 : vector<16xf32>
      %get3A_903 = arith.constant 800 : index
      %get3A_904 = tpu.vector_load %arg12[%get3A_903] {strides = array<i32>} : memref<2048xf32, #tpu.memory_space<vmem>>, vector<16xf32>,
      %add3A_905 = arith.addf %add3A_899, %get3A_904 : vector<16xf32>
      %get3A_906 = arith.constant 864 : index
      %get3A_907 = tpu.vector_load %arg12[%get3A_906] {strides = array<i32>} : memref<2048xf32, #tpu.memory_space<vmem>>, vector<16xf32>,
      %add3A_908 = arith.addf %add3A_902, %get3A_907 : vector<16xf32>
      %get3A_909 = arith.constant 928 : index
      %get3A_910 = tpu.vector_load %arg12[%get3A_909] {strides = array<i32>} : memref<2048xf32, #tpu.memory_space<vmem>>, vector<16xf32>,
      %add3A_911 = arith.addf %add3A_905, %get3A_910 : vector<16xf32>
      %get3A_912 = arith.constant 992 : index
      %get3A_913 = tpu.vector_load %arg12[%get3A_912] {strides = array<i32>} : memref<2048xf32, #tpu.memory_space<vmem>>, vector<16xf32>,
      %add3A_914 = arith.addf %add3A_908, %get3A_913 : vector<16xf32>
      %get3A_915 = arith.constant 1056 : index
      %get3A_916 = tpu.vector_load %arg12[%get3A_915] {strides = array<i32>} : memref<2048xf32, #tpu.memory_space<vmem>>, vector<16xf32>,
      %add3A_917 = arith.addf %add3A_911, %get3A_916 : vector<16xf32>
      %get3A_918 = arith.constant 1120 : index
      %get3A_919 = tpu.vector_load %arg12[%get3A_918] {strides = array<i32>} : memref<2048xf32, #tpu.memory_space<vmem>>, vector<16xf32>,
      %add3A_920 = arith.addf %add3A_914, %get3A_919 : vector<16xf32>
      %get3A_921 = arith.constant 1184 : index
      %get3A_922 = tpu.vector_load %arg12[%get3A_921] {strides = array<i32>} : memref<2048xf32, #tpu.memory_space<vmem>>, vector<16xf32>,
      %add3A_923 = arith.addf %add3A_917, %get3A_922 : vector<16xf32>
      %get3A_924 = arith.constant 1248 : index
      %get3A_925 = tpu.vector_load %arg12[%get3A_924] {strides = array<i32>} : memref<2048xf32, #tpu.memory_space<vmem>>, vector<16xf32>,
      %add3A_926 = arith.addf %add3A_920, %get3A_925 : vector<16xf32>
      %get3A_927 = arith.constant 1312 : index
      %get3A_928 = tpu.vector_load %arg12[%get3A_927] {strides = array<i32>} : memref<2048xf32, #tpu.memory_space<vmem>>, vector<16xf32>,
      %add3A_929 = arith.addf %add3A_923, %get3A_928 : vector<16xf32>
      %get3A_930 = arith.constant 1376 : index
      %get3A_931 = tpu.vector_load %arg12[%get3A_930] {strides = array<i32>} : memref<2048xf32, #tpu.memory_space<vmem>>, vector<16xf32>,
      %add3A_932 = arith.addf %add3A_926, %get3A_931 : vector<16xf32>
      %get3A_933 = arith.constant 1440 : index
      %get3A_934 = tpu.vector_load %arg12[%get3A_933] {strides = array<i32>} : memref<2048xf32, #tpu.memory_space<vmem>>, vector<16xf32>,
      %add3A_935 = arith.addf %add3A_929, %get3A_934 : vector<16xf32>
      %get3A_936 = arith.constant 1504 : index
      %get3A_937 = tpu.vector_load %arg12[%get3A_936] {strides = array<i32>} : memref<2048xf32, #tpu.memory_space<vmem>>, vector<16xf32>,
      %add3A_938 = arith.addf %add3A_932, %get3A_937 : vector<16xf32>
      %get3A_939 = arith.constant 1568 : index
      %get3A_940 = tpu.vector_load %arg12[%get3A_939] {strides = array<i32>} : memref<2048xf32, #tpu.memory_space<vmem>>, vector<16xf32>,
      %add3A_941 = arith.addf %add3A_935, %get3A_940 : vector<16xf32>
      %get3A_942 = arith.constant 1632 : index
      %get3A_943 = tpu.vector_load %arg12[%get3A_942] {strides = array<i32>} : memref<2048xf32, #tpu.memory_space<vmem>>, vector<16xf32>,
      %add3A_944 = arith.addf %add3A_938, %get3A_943 : vector<16xf32>
      %get3A_945 = arith.constant 1696 : index
      %get3A_946 = tpu.vector_load %arg12[%get3A_945] {strides = array<i32>} : memref<2048xf32, #tpu.memory_space<vmem>>, vector<16xf32>,
      %add3A_947 = arith.addf %add3A_941, %get3A_946 : vector<16xf32>
      %get3A_948 = arith.constant 1760 : index
      %get3A_949 = tpu.vector_load %arg12[%get3A_948] {strides = array<i32>} : memref<2048xf32, #tpu.memory_space<vmem>>, vector<16xf32>,
      %add3A_950 = arith.addf %add3A_944, %get3A_949 : vector<16xf32>
      %get3A_951 = arith.constant 1824 : index
      %get3A_952 = tpu.vector_load %arg12[%get3A_951] {strides = array<i32>} : memref<2048xf32, #tpu.memory_space<vmem>>, vector<16xf32>,
      %add3A_953 = arith.addf %add3A_947, %get3A_952 : vector<16xf32>
      %get3A_954 = arith.constant 1888 : index
      %get3A_955 = tpu.vector_load %arg12[%get3A_954] {strides = array<i32>} : memref<2048xf32, #tpu.memory_space<vmem>>, vector<16xf32>,
      %add3A_956 = arith.addf %add3A_950, %get3A_955 : vector<16xf32>
      %get3A_957 = arith.constant 1952 : index
      %get3A_958 = tpu.vector_load %arg12[%get3A_957] {strides = array<i32>} : memref<2048xf32, #tpu.memory_space<vmem>>, vector<16xf32>,
      %add3A_959 = arith.addf %add3A_953, %get3A_958 : vector<16xf32>
      %get3A_960 = arith.constant 2016 : index
      %get3A_961 = tpu.vector_load %arg12[%get3A_960] {strides = array<i32>} : memref<2048xf32, #tpu.memory_space<vmem>>, vector<16xf32>,
      %add3A_962 = arith.addf %add3A_956, %get3A_961 : vector<16xf32>
      %get3A_963 = arith.constant 48 : index
      %get3A_964 = tpu.vector_load %arg12[%get3A_963] {strides = array<i32>} : memref<2048xf32, #tpu.memory_space<vmem>>, vector<16xf32>,
      %get3A_965 = arith.constant 112 : index
      %get3A_966 = tpu.vector_load %arg12[%get3A_965] {strides = array<i32>} : memref<2048xf32, #tpu.memory_space<vmem>>, vector<16xf32>,
      %get3A_967 = arith.constant 176 : index
      %get3A_968 = tpu.vector_load %arg12[%get3A_967] {strides = array<i32>} : memref<2048xf32, #tpu.memory_space<vmem>>, vector<16xf32>,
      %add3A_969 = arith.addf %get3A_964, %get3A_968 : vector<16xf32>
      %get3A_970 = arith.constant 240 : index
      %get3A_971 = tpu.vector_load %arg12[%get3A_970] {strides = array<i32>} : memref<2048xf32, #tpu.memory_space<vmem>>, vector<16xf32>,
      %add3A_972 = arith.addf %get3A_966, %get3A_971 : vector<16xf32>
      %get3A_973 = arith.constant 304 : index
      %get3A_974 = tpu.vector_load %arg12[%get3A_973] {strides = array<i32>} : memref<2048xf32, #tpu.memory_space<vmem>>, vector<16xf32>,
      %add3A_975 = arith.addf %add3A_969, %get3A_974 : vector<16xf32>
      %get3A_976 = arith.constant 368 : index
      %get3A_977 = tpu.vector_load %arg12[%get3A_976] {strides = array<i32>} : memref<2048xf32, #tpu.memory_space<vmem>>, vector<16xf32>,
      %add3A_978 = arith.addf %add3A_972, %get3A_977 : vector<16xf32>
      %get3A_979 = arith.constant 432 : index
      %get3A_980 = tpu.vector_load %arg12[%get3A_979] {strides = array<i32>} : memref<2048xf32, #tpu.memory_space<vmem>>, vector<16xf32>,
      %add3A_981 = arith.addf %add3A_975, %get3A_980 : vector<16xf32>
      %get3A_982 = arith.constant 496 : index
      %get3A_983 = tpu.vector_load %arg12[%get3A_982] {strides = array<i32>} : memref<2048xf32, #tpu.memory_space<vmem>>, vector<16xf32>,
      %add3A_984 = arith.addf %add3A_978, %get3A_983 : vector<16xf32>
      %get3A_985 = arith.constant 560 : index
      %get3A_986 = tpu.vector_load %arg12[%get3A_985] {strides = array<i32>} : memref<2048xf32, #tpu.memory_space<vmem>>, vector<16xf32>,
      %add3A_987 = arith.addf %add3A_981, %get3A_986 : vector<16xf32>
      %get3A_988 = arith.constant 624 : index
      %get3A_989 = tpu.vector_load %arg12[%get3A_988] {strides = array<i32>} : memref<2048xf32, #tpu.memory_space<vmem>>, vector<16xf32>,
      %add3A_990 = arith.addf %add3A_984, %get3A_989 : vector<16xf32>
      %get3A_991 = arith.constant 688 : index
      %get3A_992 = tpu.vector_load %arg12[%get3A_991] {strides = array<i32>} : memref<2048xf32, #tpu.memory_space<vmem>>, vector<16xf32>,
      %add3A_993 = arith.addf %add3A_987, %get3A_992 : vector<16xf32>
      %get3A_994 = arith.constant 752 : index
      %get3A_995 = tpu.vector_load %arg12[%get3A_994] {strides = array<i32>} : memref<2048xf32, #tpu.memory_space<vmem>>, vector<16xf32>,
      %add3A_996 = arith.addf %add3A_990, %get3A_995 : vector<16xf32>
      %get3A_997 = arith.constant 816 : index
      %get3A_998 = tpu.vector_load %arg12[%get3A_997] {strides = array<i32>} : memref<2048xf32, #tpu.memory_space<vmem>>, vector<16xf32>,
      %add3A_999 = arith.addf %add3A_993, %get3A_998 : vector<16xf32>
      %get3A_1000 = arith.constant 880 : index
      %get3A_1001 = tpu.vector_load %arg12[%get3A_1000] {strides = array<i32>} : memref<2048xf32, #tpu.memory_space<vmem>>, vector<16xf32>,
      %add3A_1002 = arith.addf %add3A_996, %get3A_1001 : vector<16xf32>
      %get3A_1003 = arith.constant 944 : index
      %get3A_1004 = tpu.vector_load %arg12[%get3A_1003] {strides = array<i32>} : memref<2048xf32, #tpu.memory_space<vmem>>, vector<16xf32>,
      %add3A_1005 = arith.addf %add3A_999, %get3A_1004 : vector<16xf32>
      %get3A_1006 = arith.constant 1008 : index
      %get3A_1007 = tpu.vector_load %arg12[%get3A_1006] {strides = array<i32>} : memref<2048xf32, #tpu.memory_space<vmem>>, vector<16xf32>,
      %add3A_1008 = arith.addf %add3A_1002, %get3A_1007 : vector<16xf32>
      %get3A_1009 = arith.constant 1072 : index
      %get3A_1010 = tpu.vector_load %arg12[%get3A_1009] {strides = array<i32>} : memref<2048xf32, #tpu.memory_space<vmem>>, vector<16xf32>,
      %add3A_1011 = arith.addf %add3A_1005, %get3A_1010 : vector<16xf32>
      %get3A_1012 = arith.constant 1136 : index
      %get3A_1013 = tpu.vector_load %arg12[%get3A_1012] {strides = array<i32>} : memref<2048xf32, #tpu.memory_space<vmem>>, vector<16xf32>,
      %add3A_1014 = arith.addf %add3A_1008, %get3A_1013 : vector<16xf32>
      %get3A_1015 = arith.constant 1200 : index
      %get3A_1016 = tpu.vector_load %arg12[%get3A_1015] {strides = array<i32>} : memref<2048xf32, #tpu.memory_space<vmem>>, vector<16xf32>,
      %add3A_1017 = arith.addf %add3A_1011, %get3A_1016 : vector<16xf32>
      %get3A_1018 = arith.constant 1264 : index
      %get3A_1019 = tpu.vector_load %arg12[%get3A_1018] {strides = array<i32>} : memref<2048xf32, #tpu.memory_space<vmem>>, vector<16xf32>,
      %add3A_1020 = arith.addf %add3A_1014, %get3A_1019 : vector<16xf32>
      %get3A_1021 = arith.constant 1328 : index
      %get3A_1022 = tpu.vector_load %arg12[%get3A_1021] {strides = array<i32>} : memref<2048xf32, #tpu.memory_space<vmem>>, vector<16xf32>,
      %add3A_1023 = arith.addf %add3A_1017, %get3A_1022 : vector<16xf32>
      %get3A_1024 = arith.constant 1392 : index
      %get3A_1025 = tpu.vector_load %arg12[%get3A_1024] {strides = array<i32>} : memref<2048xf32, #tpu.memory_space<vmem>>, vector<16xf32>,
      %add3A_1026 = arith.addf %add3A_1020, %get3A_1025 : vector<16xf32>
      %get3A_1027 = arith.constant 1456 : index
      %get3A_1028 = tpu.vector_load %arg12[%get3A_1027] {strides = array<i32>} : memref<2048xf32, #tpu.memory_space<vmem>>, vector<16xf32>,
      %add3A_1029 = arith.addf %add3A_1023, %get3A_1028 : vector<16xf32>
      %get3A_1030 = arith.constant 1520 : index
      %get3A_1031 = tpu.vector_load %arg12[%get3A_1030] {strides = array<i32>} : memref<2048xf32, #tpu.memory_space<vmem>>, vector<16xf32>,
      %add3A_1032 = arith.addf %add3A_1026, %get3A_1031 : vector<16xf32>
      %get3A_1033 = arith.constant 1584 : index
      %get3A_1034 = tpu.vector_load %arg12[%get3A_1033] {strides = array<i32>} : memref<2048xf32, #tpu.memory_space<vmem>>, vector<16xf32>,
      %add3A_1035 = arith.addf %add3A_1029, %get3A_1034 : vector<16xf32>
      %get3A_1036 = arith.constant 1648 : index
      %get3A_1037 = tpu.vector_load %arg12[%get3A_1036] {strides = array<i32>} : memref<2048xf32, #tpu.memory_space<vmem>>, vector<16xf32>,
      %add3A_1038 = arith.addf %add3A_1032, %get3A_1037 : vector<16xf32>
      %get3A_1039 = arith.constant 1712 : index
      %get3A_1040 = tpu.vector_load %arg12[%get3A_1039] {strides = array<i32>} : memref<2048xf32, #tpu.memory_space<vmem>>, vector<16xf32>,
      %add3A_1041 = arith.addf %add3A_1035, %get3A_1040 : vector<16xf32>
      %get3A_1042 = arith.constant 1776 : index
      %get3A_1043 = tpu.vector_load %arg12[%get3A_1042] {strides = array<i32>} : memref<2048xf32, #tpu.memory_space<vmem>>, vector<16xf32>,
      %add3A_1044 = arith.addf %add3A_1038, %get3A_1043 : vector<16xf32>
      %get3A_1045 = arith.constant 1840 : index
      %get3A_1046 = tpu.vector_load %arg12[%get3A_1045] {strides = array<i32>} : memref<2048xf32, #tpu.memory_space<vmem>>, vector<16xf32>,
      %add3A_1047 = arith.addf %add3A_1041, %get3A_1046 : vector<16xf32>
      %get3A_1048 = arith.constant 1904 : index
      %get3A_1049 = tpu.vector_load %arg12[%get3A_1048] {strides = array<i32>} : memref<2048xf32, #tpu.memory_space<vmem>>, vector<16xf32>,
      %add3A_1050 = arith.addf %add3A_1044, %get3A_1049 : vector<16xf32>
      %get3A_1051 = arith.constant 1968 : index
      %get3A_1052 = tpu.vector_load %arg12[%get3A_1051] {strides = array<i32>} : memref<2048xf32, #tpu.memory_space<vmem>>, vector<16xf32>,
      %add3A_1053 = arith.addf %add3A_1047, %get3A_1052 : vector<16xf32>
      %get3A_1054 = arith.constant 2032 : index
      %get3A_1055 = tpu.vector_load %arg12[%get3A_1054] {strides = array<i32>} : memref<2048xf32, #tpu.memory_space<vmem>>, vector<16xf32>,
      %add3A_1056 = arith.addf %add3A_1050, %get3A_1055 : vector<16xf32>
      %broadcast_in_dim3A_1057 = arith.constant 1.000000e+00 : f32
      %broadcast_in_dim3A_1058 = vector.broadcast %broadcast_in_dim3A_1057 : f32 to vector<16xf32>
      %broadcast_in_dim3A_1059 = arith.constant 0.000000e+00 : f32
      %broadcast_in_dim3A_1060 = vector.broadcast %broadcast_in_dim3A_1059 : f32 to vector<16xf32>
      %ge3A = arith.constant 1.000000e+01 : f32
      %ge3A_1061 = vector.broadcast %ge3A : f32 to vector<16xf32>
      %ge3A_1062 = arith.cmpf oge, %add3A_774, %ge3A_1061 : vector<16xf32>
      %ge3A_1063 = arith.constant 1.000000e+01 : f32
      %ge3A_1064 = vector.broadcast %ge3A_1063 : f32 to vector<16xf32>
      %ge3A_1065 = arith.cmpf oge, %add3A_868, %ge3A_1064 : vector<16xf32>
      %max3A = arith.maximumf %add3A_774, %broadcast_in_dim3A_1058 : vector<16xf32>
      %div3A = arith.divf %add3A_771, %max3A : vector<16xf32>
      %max3A_1066 = arith.maximumf %add3A_868, %broadcast_in_dim3A_1058 : vector<16xf32>
      %div3A_1067 = arith.divf %add3A_865, %max3A_1066 : vector<16xf32>
      %jit3A = arith.constant 1.000000e+00 : f32
      %jit3A_1068 = arith.constant 0.000000e+00 : f32
      %broadcast_in_dim3A_1069 = vector.broadcast %jit3A : f32 to vector<16xf32>
      %broadcast_in_dim3A_1070 = vector.broadcast %jit3A_1068 : f32 to vector<16xf32>
      %select_n3A = arith.select %ge3A_1062, %broadcast_in_dim3A_1069, %broadcast_in_dim3A_1070 : vector<16xi1>, vector<16xf32>
      %reduce_sum3A = arith.constant true
      %reduce_sum3A_1071 = vector.broadcast %reduce_sum3A : i1 to vector<16xi1>
      %reduce_sum3A_1072 = tpu.scan <sum>, %select_n3A masked %reduce_sum3A_1071 : vector<16xf32>, vector<16xi1> -> vector<16xf32>
      %reduce_sum3A_1073 = vector.extract %reduce_sum3A_1072[15] : f32 from vector<16xf32>
      %jit3A_1074 = arith.constant 1.000000e+00 : f32
      %jit3A_1075 = arith.constant 0.000000e+00 : f32
      %broadcast_in_dim3A_1076 = vector.broadcast %jit3A_1074 : f32 to vector<16xf32>
      %broadcast_in_dim3A_1077 = vector.broadcast %jit3A_1075 : f32 to vector<16xf32>
      %select_n3A_1078 = arith.select %ge3A_1065, %broadcast_in_dim3A_1076, %broadcast_in_dim3A_1077 : vector<16xi1>, vector<16xf32>
      %reduce_sum3A_1079 = arith.constant true
      %reduce_sum3A_1080 = vector.broadcast %reduce_sum3A_1079 : i1 to vector<16xi1>
      %reduce_sum3A_1081 = tpu.scan <sum>, %select_n3A_1078 masked %reduce_sum3A_1080 : vector<16xf32>, vector<16xi1> -> vector<16xf32>
      %reduce_sum3A_1082 = vector.extract %reduce_sum3A_1081[15] : f32 from vector<16xf32>
      %add3A_1083 = arith.addf %reduce_sum3A_1073, %reduce_sum3A_1082 : f32
      %broadcast_in_dim3A_1084 = vector.broadcast %add3A_1083 : f32 to vector<16xf32>
      %select_n3A_1085 = arith.select %ge3A_1062, %div3A, %broadcast_in_dim3A_1060 : vector<16xi1>, vector<16xf32>
      %reduce_sum3A_1086 = arith.constant true
      %reduce_sum3A_1087 = vector.broadcast %reduce_sum3A_1086 : i1 to vector<16xi1>
      %reduce_sum3A_1088 = tpu.scan <sum>, %select_n3A_1085 masked %reduce_sum3A_1087 : vector<16xf32>, vector<16xi1> -> vector<16xf32>
      %reduce_sum3A_1089 = vector.extract %reduce_sum3A_1088[15] : f32 from vector<16xf32>
      %select_n3A_1090 = arith.select %ge3A_1065, %div3A_1067, %broadcast_in_dim3A_1060 : vector<16xi1>, vector<16xf32>
      %reduce_sum3A_1091 = arith.constant true
      %reduce_sum3A_1092 = vector.broadcast %reduce_sum3A_1091 : i1 to vector<16xi1>
      %reduce_sum3A_1093 = tpu.scan <sum>, %select_n3A_1090 masked %reduce_sum3A_1092 : vector<16xf32>, vector<16xi1> -> vector<16xf32>
      %reduce_sum3A_1094 = vector.extract %reduce_sum3A_1093[15] : f32 from vector<16xf32>
      %add3A_1095 = arith.addf %reduce_sum3A_1089, %reduce_sum3A_1094 : f32
      %broadcast_in_dim3A_1096 = vector.broadcast %add3A_1095 : f32 to vector<16xf32>
      %max3A_1097 = arith.maximumf %broadcast_in_dim3A_1084, %broadcast_in_dim3A_1058 : vector<16xf32>
      %div3A_1098 = arith.divf %broadcast_in_dim3A_1096, %max3A_1097 : vector<16xf32>
      %sub3A = arith.subf %div3A, %div3A_1098 : vector<16xf32>
      %sub3A_1099 = arith.subf %div3A_1067, %div3A_1098 : vector<16xf32>
      %mul3A_1100 = arith.mulf %sub3A, %sub3A : vector<16xf32>
      %select_n3A_1101 = arith.select %ge3A_1062, %mul3A_1100, %broadcast_in_dim3A_1060 : vector<16xi1>, vector<16xf32>
      %reduce_sum3A_1102 = arith.constant true
      %reduce_sum3A_1103 = vector.broadcast %reduce_sum3A_1102 : i1 to vector<16xi1>
      %reduce_sum3A_1104 = tpu.scan <sum>, %select_n3A_1101 masked %reduce_sum3A_1103 : vector<16xf32>, vector<16xi1> -> vector<16xf32>
      %reduce_sum3A_1105 = vector.extract %reduce_sum3A_1104[15] : f32 from vector<16xf32>
      %mul3A_1106 = arith.mulf %sub3A_1099, %sub3A_1099 : vector<16xf32>
      %select_n3A_1107 = arith.select %ge3A_1065, %mul3A_1106, %broadcast_in_dim3A_1060 : vector<16xi1>, vector<16xf32>
      %reduce_sum3A_1108 = arith.constant true
      %reduce_sum3A_1109 = vector.broadcast %reduce_sum3A_1108 : i1 to vector<16xi1>
      %reduce_sum3A_1110 = tpu.scan <sum>, %select_n3A_1107 masked %reduce_sum3A_1109 : vector<16xf32>, vector<16xi1> -> vector<16xf32>
      %reduce_sum3A_1111 = vector.extract %reduce_sum3A_1110[15] : f32 from vector<16xf32>
      %add3A_1112 = arith.addf %reduce_sum3A_1105, %reduce_sum3A_1111 : f32
      %broadcast_in_dim3A_1113 = vector.broadcast %add3A_1112 : f32 to vector<16xf32>
      %sub3A_1114 = arith.subf %broadcast_in_dim3A_1084, %broadcast_in_dim3A_1058 : vector<16xf32>
      %max3A_1115 = arith.maximumf %sub3A_1114, %broadcast_in_dim3A_1058 : vector<16xf32>
      %div3A_1116 = arith.divf %broadcast_in_dim3A_1113, %max3A_1115 : vector<16xf32>
      %ge3A_1117 = arith.constant 2.000000e+00 : f32
      %ge3A_1118 = arith.cmpf oge, %add3A_1083, %ge3A_1117 : f32
      %broadcast_in_dim3A_1119 = arith.constant 1.000000e+00 : f32
      %broadcast_in_dim3A_1120 = vector.broadcast %broadcast_in_dim3A_1119 : f32 to vector<16xf32>
      %broadcast_in_dim3A_1121 = arith.constant 0.000000e+00 : f32
      %broadcast_in_dim3A_1122 = vector.broadcast %broadcast_in_dim3A_1121 : f32 to vector<16xf32>
      %ge3A_1123 = arith.constant 1.000000e+01 : f32
      %ge3A_1124 = vector.broadcast %ge3A_1123 : f32 to vector<16xf32>
      %ge3A_1125 = arith.cmpf oge, %add3A_962, %ge3A_1124 : vector<16xf32>
      %ge3A_1126 = arith.constant 1.000000e+01 : f32
      %ge3A_1127 = vector.broadcast %ge3A_1126 : f32 to vector<16xf32>
      %ge3A_1128 = arith.cmpf oge, %add3A_1056, %ge3A_1127 : vector<16xf32>
      %max3A_1129 = arith.maximumf %add3A_962, %broadcast_in_dim3A_1120 : vector<16xf32>
      %div3A_1130 = arith.divf %add3A_959, %max3A_1129 : vector<16xf32>
      %max3A_1131 = arith.maximumf %add3A_1056, %broadcast_in_dim3A_1120 : vector<16xf32>
      %div3A_1132 = arith.divf %add3A_1053, %max3A_1131 : vector<16xf32>
      %jit3A_1133 = arith.constant 1.000000e+00 : f32
      %jit3A_1134 = arith.constant 0.000000e+00 : f32
      %broadcast_in_dim3A_1135 = vector.broadcast %jit3A_1133 : f32 to vector<16xf32>
      %broadcast_in_dim3A_1136 = vector.broadcast %jit3A_1134 : f32 to vector<16xf32>
      %select_n3A_1137 = arith.select %ge3A_1125, %broadcast_in_dim3A_1135, %broadcast_in_dim3A_1136 : vector<16xi1>, vector<16xf32>
      %reduce_sum3A_1138 = arith.constant true
      %reduce_sum3A_1139 = vector.broadcast %reduce_sum3A_1138 : i1 to vector<16xi1>
      %reduce_sum3A_1140 = tpu.scan <sum>, %select_n3A_1137 masked %reduce_sum3A_1139 : vector<16xf32>, vector<16xi1> -> vector<16xf32>
      %reduce_sum3A_1141 = vector.extract %reduce_sum3A_1140[15] : f32 from vector<16xf32>
      %jit3A_1142 = arith.constant 1.000000e+00 : f32
      %jit3A_1143 = arith.constant 0.000000e+00 : f32
      %broadcast_in_dim3A_1144 = vector.broadcast %jit3A_1142 : f32 to vector<16xf32>
      %broadcast_in_dim3A_1145 = vector.broadcast %jit3A_1143 : f32 to vector<16xf32>
      %select_n3A_1146 = arith.select %ge3A_1128, %broadcast_in_dim3A_1144, %broadcast_in_dim3A_1145 : vector<16xi1>, vector<16xf32>
      %reduce_sum3A_1147 = arith.constant true
      %reduce_sum3A_1148 = vector.broadcast %reduce_sum3A_1147 : i1 to vector<16xi1>
      %reduce_sum3A_1149 = tpu.scan <sum>, %select_n3A_1146 masked %reduce_sum3A_1148 : vector<16xf32>, vector<16xi1> -> vector<16xf32>
      %reduce_sum3A_1150 = vector.extract %reduce_sum3A_1149[15] : f32 from vector<16xf32>
      %add3A_1151 = arith.addf %reduce_sum3A_1141, %reduce_sum3A_1150 : f32
      %broadcast_in_dim3A_1152 = vector.broadcast %add3A_1151 : f32 to vector<16xf32>
      %select_n3A_1153 = arith.select %ge3A_1125, %div3A_1130, %broadcast_in_dim3A_1122 : vector<16xi1>, vector<16xf32>
      %reduce_sum3A_1154 = arith.constant true
      %reduce_sum3A_1155 = vector.broadcast %reduce_sum3A_1154 : i1 to vector<16xi1>
      %reduce_sum3A_1156 = tpu.scan <sum>, %select_n3A_1153 masked %reduce_sum3A_1155 : vector<16xf32>, vector<16xi1> -> vector<16xf32>
      %reduce_sum3A_1157 = vector.extract %reduce_sum3A_1156[15] : f32 from vector<16xf32>
      %select_n3A_1158 = arith.select %ge3A_1128, %div3A_1132, %broadcast_in_dim3A_1122 : vector<16xi1>, vector<16xf32>
      %reduce_sum3A_1159 = arith.constant true
      %reduce_sum3A_1160 = vector.broadcast %reduce_sum3A_1159 : i1 to vector<16xi1>
      %reduce_sum3A_1161 = tpu.scan <sum>, %select_n3A_1158 masked %reduce_sum3A_1160 : vector<16xf32>, vector<16xi1> -> vector<16xf32>
      %reduce_sum3A_1162 = vector.extract %reduce_sum3A_1161[15] : f32 from vector<16xf32>
      %add3A_1163 = arith.addf %reduce_sum3A_1157, %reduce_sum3A_1162 : f32
      %broadcast_in_dim3A_1164 = vector.broadcast %add3A_1163 : f32 to vector<16xf32>
      %max3A_1165 = arith.maximumf %broadcast_in_dim3A_1152, %broadcast_in_dim3A_1120 : vector<16xf32>
      %div3A_1166 = arith.divf %broadcast_in_dim3A_1164, %max3A_1165 : vector<16xf32>
      %sub3A_1167 = arith.subf %div3A_1130, %div3A_1166 : vector<16xf32>
      %sub3A_1168 = arith.subf %div3A_1132, %div3A_1166 : vector<16xf32>
      %mul3A_1169 = arith.mulf %sub3A_1167, %sub3A_1167 : vector<16xf32>
      %select_n3A_1170 = arith.select %ge3A_1125, %mul3A_1169, %broadcast_in_dim3A_1122 : vector<16xi1>, vector<16xf32>
      %reduce_sum3A_1171 = arith.constant true
      %reduce_sum3A_1172 = vector.broadcast %reduce_sum3A_1171 : i1 to vector<16xi1>
      %reduce_sum3A_1173 = tpu.scan <sum>, %select_n3A_1170 masked %reduce_sum3A_1172 : vector<16xf32>, vector<16xi1> -> vector<16xf32>
      %reduce_sum3A_1174 = vector.extract %reduce_sum3A_1173[15] : f32 from vector<16xf32>
      %mul3A_1175 = arith.mulf %sub3A_1168, %sub3A_1168 : vector<16xf32>
      %select_n3A_1176 = arith.select %ge3A_1128, %mul3A_1175, %broadcast_in_dim3A_1122 : vector<16xi1>, vector<16xf32>
      %reduce_sum3A_1177 = arith.constant true
      %reduce_sum3A_1178 = vector.broadcast %reduce_sum3A_1177 : i1 to vector<16xi1>
      %reduce_sum3A_1179 = tpu.scan <sum>, %select_n3A_1176 masked %reduce_sum3A_1178 : vector<16xf32>, vector<16xi1> -> vector<16xf32>
      %reduce_sum3A_1180 = vector.extract %reduce_sum3A_1179[15] : f32 from vector<16xf32>
      %add3A_1181 = arith.addf %reduce_sum3A_1174, %reduce_sum3A_1180 : f32
      %broadcast_in_dim3A_1182 = vector.broadcast %add3A_1181 : f32 to vector<16xf32>
      %sub3A_1183 = arith.subf %broadcast_in_dim3A_1152, %broadcast_in_dim3A_1120 : vector<16xf32>
      %max3A_1184 = arith.maximumf %sub3A_1183, %broadcast_in_dim3A_1120 : vector<16xf32>
      %div3A_1185 = arith.divf %broadcast_in_dim3A_1182, %max3A_1184 : vector<16xf32>
      %ge3A_1186 = arith.constant 2.000000e+00 : f32
      %ge3A_1187 = arith.cmpf oge, %add3A_1151, %ge3A_1186 : f32
      %broadcast_in_dim3A_1188 = arith.constant 0.000000e+00 : f32
      %broadcast_in_dim3A_1189 = vector.broadcast %broadcast_in_dim3A_1188 : f32 to vector<16xf32>
      %and3A = arith.andi %ge3A_1187, %ge3A_1118 : i1
      %add3A_1190 = arith.addf %div3A_1185, %div3A_1116 : vector<16xf32>
      %mul3A_1191 = arith.constant 5.000000e-01 : f32
      %mul3A_1192 = vector.broadcast %mul3A_1191 : f32 to vector<16xf32>
      %mul3A_1193 = arith.mulf %mul3A_1192, %add3A_1190 : vector<16xf32>
      %select_n3A_1194 = arith.select %ge3A_1118, %div3A_1116, %broadcast_in_dim3A_1189 : vector<16xf32>
      %select_n3A_1195 = arith.select %ge3A_1187, %div3A_1185, %select_n3A_1194 : vector<16xf32>
      %select_n3A_1196 = arith.select %and3A, %mul3A_1193, %select_n3A_1195 : vector<16xf32>
      %swap3A_1197 = arith.constant 0 : index
      %swap3A_1198 = tpu.vector_load %arg13[%swap3A_1197] {strides = array<i32>} : memref<16xf32, #tpu.memory_space<vmem>>, vector<16xf32>,
      tpu.vector_store %arg13[%swap3A_1197], %select_n3A_1196 {strides = array<i32>} : memref<16xf32, #tpu.memory_space<vmem>>, vector<16xf32>,
      "tpu.region"() ({
        %run_scoped3A = tpu.sem_alloc : memref<!tpu.dma_semaphore, #tpu.memory_space<semaphore_mem>>
        tpu.enqueue_dma source(%arg13 : memref<16xf32, #tpu.memory_space<vmem>>) target(%arg5 : memref<16xf32, #tpu.memory_space<hbm>>) target_semaphore(%run_scoped3A : memref<!tpu.dma_semaphore, #tpu.memory_space<semaphore_mem>>)
        tpu.wait_dma2 semaphore(%run_scoped3A : memref<!tpu.dma_semaphore, #tpu.memory_space<semaphore_mem>>) src(%arg13 : memref<16xf32, #tpu.memory_space<vmem>>) dst(%arg5 : memref<16xf32, #tpu.memory_space<hbm>>)
        tpu.yield
      }) : () -> ()
    } else {
    }
    return
  }
}

</mosaic_0001>

<sc_bundles>
// kernel: kernel.3.cloned.1.call-start
scs
__scs_entry_jumppad:
0x0: {  	(pc) =	sbr.rel $0x88, $3  }
0x1: {  	(tag) =	ssettag $0x0;
	lr =	simm.s32 $0x1  }
0x2: {  	[smem:$0x3F9E] =	sst lr;
	_ =	strace $0xD0000000  }
0x3: {  	_ = 	snop  }
0x4: {  	_ = 	snop  }
0x5: {  	_ = 	snop  }
0x6: {  	_ = 	snop  }
0x7: {  	_ = 	snop  }
__scs_overlays_trampoline_lowered:
0x8: {  	[smem:$0x3FAD] =	sst s0  }
0x9: {  	[smem:$0x3FAE] =	sst s1  }
0xa: {  	[smem:$0x3FAF] =	sst s2  }
0xb: {  	[smem:$0x3FB0] =	sst s3  }
0xc: {  	[smem:$0x3FB1] =	sst s4  }
0xd: {  	[smem:$0x3FB2] =	sst s5  }
0xe: {  	[smem:$0x3FB3] =	sst s6  }
0xf: {  	[smem:$0x3FB4] =	sst s7  }
0x10: {  	[smem:$0x3FB5] =	sst s8  }
0x11: {  	[smem:$0x3FB6] =	sst s9;
	s0 =	simm.s32 @!p0 $0x0  }
0x12: {  	s1 =	sld [smem:$0x3F9C];
	s0 =	simm.s32 @p0 $0x1  }
0x13: {  	[smem:$0x3FB7] =	sst s0;
	s0 =	simm.s32 @!p1 $0x0  }
0x14: {  	s2 =	sld [smem:$0x3F9B];
	s0 =	simm.s32 @p1 $0x1  }
0x15: {  	[smem:$0x3FB8] =	sst s0;
	s0 =	simm.s32 @!p2 $0x0  }
0x16: {  	s3 =	sld [smem:$0x3FDB];
	s0 =	simm.s32 @p2 $0x1  }
0x17: {  	s4 =	simm.s32 $0x1BF5;
	[smem:$0x3FBA] =	sst s0  }
0x18: {  	s0 =	sld [smem:$0x3F9D];
	_ =	swait.ge [sflag:s4], $0x0  }
0x19: {  	s7 =	sld [smem:$0x3F9E]  }
0x1a: {  	s8 =	sadd.s32 $0xFFFFE003, lr  }
0x1b: {  	s9 =	sadd.s32 $0xFFFFFEF7, lr;
	s5 =	simm.s32 $0xFFFFFFFF;
	p2 =	slt.u32 s8, $0xFFFFF086  }
0x1c: {  	p1 =	slt.u32 s9, $0xF7A;
	s5 =	simm.s32 @!p2 $0x0  }
0x1d: {  	s5 =	simm.s32 @p1 $0x1;
	p0 =	seq.s32 s7, s2  }
0x1e: {  	s7 =	smul.u32 @!p0 $0xF7A, s2;
	p2 =	seq.s32 @!p0 s5, $0x0  }
0x1f: {  	s9 =	smul.u32 $0xF7A, s1;
	s8 =	simm.s32 @!p0 $0x1BF5;
	p2 =	por !p2, p0  }
0x20: {  	[sflag:s8] =	ssyncset.s32 @!p0 $0xFFFFF086;
	s6 =	sadd.s32 @!p0 s3, s7;
	s7 =	simm.s32 @!p0 $0x108  }
0x21: {  	s3 =	sadd.s32 s3, s9;
	s6 =	sadd.s32 @!p0 $0x88, s6;
	s7 =	simm.s32 @p2 $0x1082  }
0x22: {  	[simem:s7], [sflag:s8] =	dma.local @!p0 [hbm:s6], $0xF7A  }
0x23: {  	s9 =	sor.u32 $0xD0000000, s2;
	s6 =	simm.s32 $0x108;
	_ =	swait.ge @!p0 [sflag:s8], $0x0  }
0x24: {  	s3 =	sadd.s32 $0x88, s3;
	s6 =	simm.s32 @!p1 $0x1082;
	[sflag:s4] =	ssyncset.s32 $0xFFFFF086  }
0x25: {  	[simem:s6], [sflag:s4] =	dma.local [hbm:s3], $0xF7A  }
0x26: {  	[smem:$0x3F9E] =	sst s1;
	(tag) =	ssettag s2;
	_ =	strace s9  }
0x27: {  	s1 =	sld [smem:$0x3FAE]  }
0x28: {  	s2 =	sld [smem:$0x3FAF]  }
0x29: {  	s4 =	sld [smem:$0x3FB1]  }
0x2a: {  	p0 =	seq.s32 s5, $0x0;
	s5 =	sld [smem:$0x3FB2]  }
0x2b: {  	s6 =	sld [smem:$0x3FB3]  }
0x2c: {  	s7 =	sld [smem:$0x3FB4]  }
0x2d: {  	s3 =	simm.s32 $0x108;
	s8 =	sld [smem:$0x3FB5]  }
0x2e: {  	s3 =	simm.s32 @!p0 $0x1082;
	s9 =	sld [smem:$0x3FB6]  }
0x2f: {  	lr =	sadd.s32 s0, s3;
	s0 =	sld [smem:$0x3FAD]  }
0x30: {  	s3 =	sld [smem:$0x3FB0]  }
0x31: {  	[smem:$0x3FB9] =	sst s10  }
0x32: {  	s10 =	sld [smem:$0x3FB7];
	_ =	sdelay $0x3  }
0x33: {  	p0 =	seq.s32 s10, $0x1;
	s10 =	sld [smem:$0x3FB9];
	_ =	sdelay $0x3  }
0x34: {  	[smem:$0x3FB9] =	sst s10  }
0x35: {  	s10 =	sld [smem:$0x3FB8];
	_ =	sdelay $0x3  }
0x36: {  	p1 =	seq.s32 s10, $0x1;
	s10 =	sld [smem:$0x3FB9];
	_ =	sdelay $0x3  }
0x37: {  	[smem:$0x3FB9] =	sst s10  }
0x38: {  	s10 =	sld [smem:$0x3FBA]  }
0x39: {  	_ = 	snop;
	(pc) =	sbr.ind lr, $3  }
0x3a: {  	_ = 	snop  }
0x3b: {  	_ = 	snop  }
0x3c: {  	p2 =	seq.s32 s10, $0x1;
	s10 =	sld [smem:$0x3FB9]  }
0x3d: {  	_ =	shalt  }
0x3e: {  	_ =	shalt  }
0x3f: {  	_ =	shalt  }
0x40: {  	_ =	shalt  }
0x41: {  	_ =	shalt  }
0x42: {  	_ =	shalt  }
0x43: {  	_ =	shalt  }
0x44: {  	_ =	shalt  }
0x45: {  	_ =	shalt  }
0x46: {  	_ =	shalt  }
0x47: {  	_ =	shalt  }
0x48: {  	_ =	shalt  }
0x49: {  	_ =	shalt  }
0x4a: {  	_ =	shalt  }
0x4b: {  	_ =	shalt  }
0x4c: {  	_ =	shalt  }
0x4d: {  	_ =	shalt  }
0x4e: {  	_ =	shalt  }
0x4f: {  	_ =	shalt  }
0x50: {  	_ =	shalt  }
0x51: {  	_ =	shalt  }
0x52: {  	_ =	shalt  }
0x53: {  	_ =	shalt  }
0x54: {  	_ =	shalt  }
0x55: {  	_ =	shalt  }
0x56: {  	_ =	shalt  }
0x57: {  	_ =	shalt  }
0x58: {  	_ =	shalt  }
0x59: {  	_ =	shalt  }
0x5a: {  	_ =	shalt  }
0x5b: {  	_ =	shalt  }
0x5c: {  	_ =	shalt  }
0x5d: {  	_ =	shalt  }
0x5e: {  	_ =	shalt  }
0x5f: {  	_ =	shalt  }
0x60: {  	_ =	shalt  }
0x61: {  	_ =	shalt  }
0x62: {  	_ =	shalt  }
0x63: {  	_ =	shalt  }
0x64: {  	_ =	shalt  }
0x65: {  	_ =	shalt  }
0x66: {  	_ =	shalt  }
0x67: {  	_ =	shalt  }
0x68: {  	_ =	shalt  }
0x69: {  	_ =	shalt  }
0x6a: {  	_ =	shalt  }
0x6b: {  	_ =	shalt  }
0x6c: {  	_ =	shalt  }
0x6d: {  	_ =	shalt  }
0x6e: {  	_ =	shalt  }
0x6f: {  	_ =	shalt  }
0x70: {  	_ =	shalt  }
0x71: {  	_ =	shalt  }
0x72: {  	_ =	shalt  }
0x73: {  	_ =	shalt  }
0x74: {  	_ =	shalt  }
0x75: {  	_ =	shalt  }
0x76: {  	_ =	shalt  }
0x77: {  	_ =	shalt  }
0x78: {  	_ =	shalt  }
0x79: {  	_ =	shalt  }
0x7a: {  	_ =	shalt  }
0x7b: {  	_ =	shalt  }
0x7c: {  	_ =	shalt  }
0x7d: {  	_ =	shalt  }
0x7e: {  	_ =	shalt  }
0x7f: {  	_ =	shalt  }
0x80: {  	_ =	shalt  }
0x81: {  	_ =	shalt  }
0x82: {  	_ =	shalt  }
0x83: {  	_ =	shalt  }
0x84: {  	_ =	shalt  }
0x85: {  	_ =	shalt  }
0x86: {  	_ =	shalt  }
0x87: {  	_ =	shalt  }
.Lfunc_end0:
.L_simem_size_0:
called_computation_lowered:
.L_overlay_start_0:
0x88: {  	s0 =	sld [smem:$0x3FD9]  }
0x89: {  	s1 =	sld [smem:$0x3FFE];
	_ =	sdelay $0x3  }
0x8a: {  	s0 =	sadd.s32 s1, s0  }
0x8b: {  	[smem:$0x3FC5] =	sst s0  }
0x8c: {  	_ = 	snop  }
0x8d: {  	s0 =	sld [smem:$0x3FC9]  }
0x8e: {  	s17 =	sld [smem:$0x3FC8]  }
0x8f: {  	s2 =	sld [smem:$0x3FC7]  }
0x90: {  	s3 =	sld [smem:$0x3FD0];
	(tm) =	ssettm $0x1  }
0x91: {  	s4 =	sld [smem:$0x3FFB];
	_ =	sdelay $0x3  }
0x92: {  	_ =	strace s4  }
0x93: {  	s4 =	sld [smem:$0x3FFC];
	_ =	sdelay $0x3  }
0x94: {  	_ =	strace s4  }
0x95: {  	s4 =	sld [smem:$0x3FFD];
	_ =	sdelay $0x3  }
0x96: {  	_ =	strace s4  }
0x97: {  	_ =	strace $0x8FFFFFFF  }
0x98: {  	s18 =	sld [smem:$0x3FDB];
	_ =	sdelay $0x1  }
0x99: {  	s5 =	simm.s32 $_scs_section_size  }
0x9a: {  	s6 =	simm.s32 $_size__tile_overlayer_lowered;
	s7 =	simm.s32 $_tile_overlayer_lowered  }
0x9b: {  	s21 =	simm.s32 $0x1BFF;
	s20 =	sshll.u32 s7, $0x1;
	s4 =	sadd.s32 s5, s18  }
0x9c: {  	s8 =	simm.s32 $0x0;
	s19 =	sshll.u32 s6, $0x1;
	s6 =	sadd.s32 s20, s4  }
0x9d: {  	[timem:s8], [sflag:s21] =	dma.local [hbm:s6], s19  }
0x9e: {  	_ =	swait.ge [sflag:s21], s19  }
0x9f: {  	s5 =	ssub.s32 $0x0, s19;
	[sflag:s21] =	ssyncset.done $0x0  }
0xa0: {  	[sflag:s21] =	ssyncadd.s32 s5;
	_ =	sdelay $0x1  }
0xa1: {  	s22 =	simm.s32 $0x1B8B  }
0xa2: {  	_ =	swait.ge [sflag:s22], $0x1  }
0xa3: {  	[sflag:s22] =	ssyncset.done $0x0  }
0xa4: {  	s23 =	simm.s32 $0x1B8E;
	[sflag:s22] =	ssyncadd.s32 $0xFFFFFFFF  }
0xa5: {  	s24 =	simm.s32 $execute0_lowered;
	[smem:$0x3FD2] =	sst s23  }
0xa6: {  	s5 =	sshll.u32 s24, $0x1;
	_ =	strace $0x80000046;
	[dreg:$0x1] =	wrdreg $0xFFFFFFFF  }
0xa7: {  	s25 =	simm.s32 $_size_execute0_lowered;
	s4 =	sadd.s32 s4, s5;
	[dreg:$0x0] =	wrdreg $0x0  }
0xa8: {  	s5 =	sshll.u32 s25, $0x1;
	[dreg:$0x2] =	wrdreg s4  }
0xa9: {  	[dreg:$0x3] =	wrdreg s5  }
0xaa: {  	[dreg:$0x4] =	wrdreg $0xC0  }
0xab: {  	_ =	task [dreg:s8], $0x5FFFF  }
0xac: {  	[dreg:$0x1] =	wrdreg $0xFFFFFFFF  }
0xad: {  	[dreg:$0x0] =	wrdreg $0x60  }
0xae: {  	[dreg:$0x2] =	wrdreg s0  }
0xaf: {  	[dreg:$0x3] =	wrdreg s17  }
0xb0: {  	[dreg:$0x4] =	wrdreg s2  }
0xb1: {  	[dreg:$0x5] =	wrdreg s3  }
0xb2: {  	[dreg:$0x6] =	wrdreg $0x1D000  }
0xb3: {  	[dreg:$0x7] =	wrdreg $0x9  }
0xb4: {  	_ =	task.clear_ibuf [dreg:s8], $0x8FFFF;
	_ =	strace $0x90000046  }
0xb5: {  	s26 =	simm.s32 $0x9;
	_ =	strace $0x80000048  }
0xb6: {  	_ =	swait.ge [sflag:s26], $0x1  }
0xb7: {  	[sflag:s26] =	ssyncadd.s32 $0xFFFFFFFF  }
0xb8: {  	_ =	strace $0x90000048  }
0xb9: {  	_ =	sfence  }
0xba: {  	s28 =	sld [smem:$0x0];
	_ =	sdelay $0x1  }
0xbb: {  	s29 =	srdreg.scid  }
0xbc: {  	s30 =	sshll.u32 s29, $0xD;
	s31 =	sshrl.u32 s29, $0x2  }
0xbd: {  	s1 =	sand.u32 $0x1, s29;
	s2 =	sand.u32 $0x4000, s30;
	s0 =	sadd.s32 s31, s28  }
0xbe: {  	s1 =	sor.u32 s2, s1;
	s0 =	sshll.u32 s0, $0x11  }
0xbf: {  	s0 =	sor.u32 s0, s1  }
0xc0: {  	s0 =	sadd.s32 $0x8F2B, s0  }
0xc1: {  	[sflag:s0] =	ssyncadd.remote.s32 $0x1  }
0xc2: {  	_ =	sfence.sel $0xFFFF  }
0xc3: {  	[dreg:$0x0] =	wrdreg $0xFFFFFFFF;
	(pc) =	sbr.abs _section_cstart, $3  }
0xc4: {  	[dreg:$0x1] =	wrdreg $0xFFFFFFFF  }
0xc5: {  	_ =	task.clear_ibuf [dreg:s8], $0x2FFFF;
	_ =	strace $0x9FFFFFFF  }
0xc6: {  	(tm) =	ssettm $0x7FFFFFFF  }
0xc7: {  	_ =	shalt  }
tec
execute0_lowered:
.L_overlay_start_1:
0x0: {  	(tag) =	ssettag $0x1  }
0x1: {  	s6 =	rddreg [dreg:$0x0]  }
0x2: {  	s7 =	rddreg [dreg:$0x1]  }
0x3: {  	s8 =	rddreg [dreg:$0x2]  }
0x4: {  	s1 =	rddreg [dreg:$0x3]  }
0x5: {  	s2 =	rddreg [dreg:$0x4];
	s5 =	simm.s32 $0x0;
	s3 =	stileid.u32  }
0x6: {  	[smem:$0x7FF] =	sst s5;
	s4 =	sshll.u32 s3, $0x7  }
0x7: {  	s0 =	rddreg [dreg:$0x5];
	_ =	strace $0x80000047;
	s6 =	sadd.s32 s6, s4  }
0x8: {  	[tilespmem:s5], [sflag:$0x1] =	stream.linear.gather [hbm4b:s6+s5], $0x400, $0x38;
	[tilespmem:$0x1D80] =	vst v63  }
0x9: {  	s25 =	simm.s32 $0x400;
	s24 =	sadd.s32 s7, s4  }
0xa: {  	[tilespmem:s25], [sflag:$0x2] =	stream.linear.gather [hbm4b:s24+s5], $0x400, $0x38;
	[tilespmem:$0x1D80] =	vst v63  }
0xb: {  	s28 =	simm.s32 $0x800;
	s26 =	sadd.s32 s8, s4  }
0xc: {  	v0 =	vimm.f32 $0.0e+00;
	[tilespmem:s28], [sflag:$0x3] =	stream.linear.gather [hbm4b:s26+s5], $0x400, $0x38;
	[tilespmem:$0x1D80] =	vst v63  }
0xd: {  	[tilespmem:$0xC00] =	vst v0  }
0xe: {  	[tilespmem:$0x1000] =	vst v0  }
0xf: {  	[tilespmem:$0xC10] =	vst v0  }
0x10: {  	[tilespmem:$0x1010] =	vst v0  }
0x11: {  	[tilespmem:$0xC20] =	vst v0  }
0x12: {  	[tilespmem:$0x1020] =	vst v0  }
0x13: {  	[tilespmem:$0xC30] =	vst v0  }
0x14: {  	[tilespmem:$0x1030] =	vst v0  }
0x15: {  	[tilespmem:$0xC40] =	vst v0  }
0x16: {  	[tilespmem:$0x1040] =	vst v0  }
0x17: {  	[tilespmem:$0xC50] =	vst v0  }
0x18: {  	[tilespmem:$0x1050] =	vst v0  }
0x19: {  	[tilespmem:$0xC60] =	vst v0  }
0x1a: {  	[tilespmem:$0x1060] =	vst v0  }
0x1b: {  	[tilespmem:$0xC70] =	vst v0  }
0x1c: {  	[tilespmem:$0x1070] =	vst v0  }
0x1d: {  	[tilespmem:$0xC80] =	vst v0  }
0x1e: {  	[tilespmem:$0x1080] =	vst v0  }
0x1f: {  	[tilespmem:$0xC90] =	vst v0  }
0x20: {  	[tilespmem:$0x1090] =	vst v0  }
0x21: {  	[tilespmem:$0xCA0] =	vst v0  }
0x22: {  	[tilespmem:$0x10A0] =	vst v0  }
0x23: {  	[tilespmem:$0xCB0] =	vst v0  }
0x24: {  	[tilespmem:$0x10B0] =	vst v0  }
0x25: {  	[tilespmem:$0xCC0] =	vst v0  }
0x26: {  	[tilespmem:$0x10C0] =	vst v0  }
0x27: {  	[tilespmem:$0xCD0] =	vst v0  }
0x28: {  	[tilespmem:$0x10D0] =	vst v0  }
0x29: {  	[tilespmem:$0xCE0] =	vst v0  }
0x2a: {  	[tilespmem:$0x10E0] =	vst v0  }
0x2b: {  	[tilespmem:$0xCF0] =	vst v0  }
0x2c: {  	[tilespmem:$0x10F0] =	vst v0  }
0x2d: {  	[tilespmem:$0xD00] =	vst v0  }
0x2e: {  	[tilespmem:$0x1100] =	vst v0  }
0x2f: {  	[tilespmem:$0xD10] =	vst v0  }
0x30: {  	[tilespmem:$0x1110] =	vst v0  }
0x31: {  	[tilespmem:$0xD20] =	vst v0  }
0x32: {  	[tilespmem:$0x1120] =	vst v0  }
0x33: {  	[tilespmem:$0xD30] =	vst v0  }
0x34: {  	[tilespmem:$0x1130] =	vst v0  }
0x35: {  	[tilespmem:$0xD40] =	vst v0  }
0x36: {  	[tilespmem:$0x1140] =	vst v0  }
0x37: {  	[tilespmem:$0xD50] =	vst v0  }
0x38: {  	[tilespmem:$0x1150] =	vst v0  }
0x39: {  	[tilespmem:$0xD60] =	vst v0  }
0x3a: {  	[tilespmem:$0x1160] =	vst v0  }
0x3b: {  	[tilespmem:$0xD70] =	vst v0  }
0x3c: {  	[tilespmem:$0x1170] =	vst v0  }
0x3d: {  	[tilespmem:$0xD80] =	vst v0  }
0x3e: {  	[tilespmem:$0x1180] =	vst v0  }
0x3f: {  	[tilespmem:$0xD90] =	vst v0  }
0x40: {  	[tilespmem:$0x1190] =	vst v0  }
0x41: {  	[tilespmem:$0xDA0] =	vst v0  }
0x42: {  	[tilespmem:$0x11A0] =	vst v0  }
0x43: {  	[tilespmem:$0xDB0] =	vst v0  }
0x44: {  	[tilespmem:$0x11B0] =	vst v0  }
0x45: {  	[tilespmem:$0xDC0] =	vst v0  }
0x46: {  	[tilespmem:$0x11C0] =	vst v0  }
0x47: {  	[tilespmem:$0xDD0] =	vst v0  }
0x48: {  	[tilespmem:$0x11D0] =	vst v0  }
0x49: {  	[tilespmem:$0xDE0] =	vst v0  }
0x4a: {  	[tilespmem:$0x11E0] =	vst v0  }
0x4b: {  	[tilespmem:$0xDF0] =	vst v0  }
0x4c: {  	[tilespmem:$0x11F0] =	vst v0  }
0x4d: {  	[tilespmem:$0xE00] =	vst v0  }
0x4e: {  	[tilespmem:$0x1200] =	vst v0  }
0x4f: {  	[tilespmem:$0xE10] =	vst v0  }
0x50: {  	[tilespmem:$0x1210] =	vst v0  }
0x51: {  	[tilespmem:$0xE20] =	vst v0  }
0x52: {  	[tilespmem:$0x1220] =	vst v0  }
0x53: {  	[tilespmem:$0xE30] =	vst v0  }
0x54: {  	[tilespmem:$0x1230] =	vst v0  }
0x55: {  	[tilespmem:$0xE40] =	vst v0  }
0x56: {  	[tilespmem:$0x1240] =	vst v0  }
0x57: {  	[tilespmem:$0xE50] =	vst v0  }
0x58: {  	[tilespmem:$0x1250] =	vst v0  }
0x59: {  	[tilespmem:$0xE60] =	vst v0  }
0x5a: {  	[tilespmem:$0x1260] =	vst v0  }
0x5b: {  	[tilespmem:$0xE70] =	vst v0  }
0x5c: {  	[tilespmem:$0x1270] =	vst v0  }
0x5d: {  	[tilespmem:$0xE80] =	vst v0  }
0x5e: {  	[tilespmem:$0x1280] =	vst v0  }
0x5f: {  	[tilespmem:$0xE90] =	vst v0  }
0x60: {  	[tilespmem:$0x1290] =	vst v0  }
0x61: {  	[tilespmem:$0xEA0] =	vst v0  }
0x62: {  	[tilespmem:$0x12A0] =	vst v0  }
0x63: {  	[tilespmem:$0xEB0] =	vst v0  }
0x64: {  	[tilespmem:$0x12B0] =	vst v0  }
0x65: {  	[tilespmem:$0xEC0] =	vst v0  }
0x66: {  	[tilespmem:$0x12C0] =	vst v0  }
0x67: {  	[tilespmem:$0xED0] =	vst v0  }
0x68: {  	[tilespmem:$0x12D0] =	vst v0  }
0x69: {  	[tilespmem:$0xEE0] =	vst v0  }
0x6a: {  	[tilespmem:$0x12E0] =	vst v0  }
0x6b: {  	[tilespmem:$0xEF0] =	vst v0  }
0x6c: {  	[tilespmem:$0x12F0] =	vst v0  }
0x6d: {  	[tilespmem:$0xF00] =	vst v0  }
0x6e: {  	[tilespmem:$0x1300] =	vst v0  }
0x6f: {  	[tilespmem:$0xF10] =	vst v0  }
0x70: {  	[tilespmem:$0x1310] =	vst v0  }
0x71: {  	[tilespmem:$0xF20] =	vst v0  }
0x72: {  	[tilespmem:$0x1320] =	vst v0  }
0x73: {  	[tilespmem:$0xF30] =	vst v0  }
0x74: {  	[tilespmem:$0x1330] =	vst v0  }
0x75: {  	[tilespmem:$0xF40] =	vst v0  }
0x76: {  	[tilespmem:$0x1340] =	vst v0  }
0x77: {  	[tilespmem:$0xF50] =	vst v0  }
0x78: {  	[tilespmem:$0x1350] =	vst v0  }
0x79: {  	[tilespmem:$0xF60] =	vst v0  }
0x7a: {  	[tilespmem:$0x1360] =	vst v0  }
0x7b: {  	[tilespmem:$0xF70] =	vst v0  }
0x7c: {  	[tilespmem:$0x1370] =	vst v0  }
0x7d: {  	[tilespmem:$0xF80] =	vst v0  }
0x7e: {  	[tilespmem:$0x1380] =	vst v0  }
0x7f: {  	[tilespmem:$0xF90] =	vst v0  }
0x80: {  	[tilespmem:$0x1390] =	vst v0  }
0x81: {  	[tilespmem:$0xFA0] =	vst v0  }
0x82: {  	[tilespmem:$0x13A0] =	vst v0  }
0x83: {  	[tilespmem:$0xFB0] =	vst v0  }
0x84: {  	[tilespmem:$0x13B0] =	vst v0  }
0x85: {  	[tilespmem:$0xFC0] =	vst v0  }
0x86: {  	[tilespmem:$0x13C0] =	vst v0  }
0x87: {  	[tilespmem:$0xFD0] =	vst v0  }
0x88: {  	[tilespmem:$0x13D0] =	vst v0  }
0x89: {  	[tilespmem:$0xFE0] =	vst v0  }
0x8a: {  	[tilespmem:$0x13E0] =	vst v0  }
0x8b: {  	[tilespmem:$0xFF0] =	vst v0  }
0x8c: {  	s29 =	simm.s32 $0x1;
	[tilespmem:$0x13F0] =	vst v0  }
0x8d: {  	_ =	swait.ge [sflag:s29], $0x400  }
0x8e: {  	[sflag:s29] =	ssyncset.done $0x0  }
0x8f: {  	s30 =	simm.s32 $0x2;
	[sflag:s29] =	ssyncadd.s32 $0xFFFFFC00  }
0x90: {  	_ =	swait.ge [sflag:s30], $0x400  }
0x91: {  	[sflag:s30] =	ssyncset.done $0x0  }
0x92: {  	s31 =	simm.s32 $0x3;
	[sflag:s30] =	ssyncadd.s32 $0xFFFFFC00  }
0x93: {  	_ =	swait.ge [sflag:s31], $0x400  }
0x94: {  	v0 =	vlaneseq.u32;
	[sflag:s31] =	ssyncset.done $0x0  }
0x95: {  	v1 =	vimm.f32 $1.000000000e+00;
	s7 =	simm.s32 $0x1000;
	s6 =	simm.s32 $0xC00;
	v0 =	vmul.u32 $0x40, v0;
	[sflag:s31] =	ssyncadd.s32 $0xFFFFFC00  }
.LBB2_1:
0x96: {  	s8 =	sshra.s32 s5, $0x2  }
0x97: {  	v2 =	vld [tilespmem:s8+$0x400]  }
0x98: {  	v3 =	vld [tilespmem:s8+$0x800];
	_ =	sdelay $0x3  }
0x99: {  	v2 =	vshll.u32 v2, $0x5  }
0x9a: {  	v2 =	vadd.s32 v2, v3  }
0x9b: {  	v3 =	vld [tilespmem:s8+$0x0];
	v2 =	vadd.s32 v0, v2;
	_ =	sdelay $0x4  }
0x9c: {  	[tilespmem:v2+s6+$0x0] =	vst.idx.add.f32.msk $0xffff, v3  }
0x9d: {  	[tilespmem:v2+s7+$0x0] =	vst.idx.add.f32.msk $0xffff, v1  }
0x9e: {  	v2 =	vld [tilespmem:s8+$0x410]  }
0x9f: {  	v3 =	vld [tilespmem:s8+$0x810];
	_ =	sdelay $0x3  }
0xa0: {  	v2 =	vshll.u32 v2, $0x5  }
0xa1: {  	v2 =	vadd.s32 v2, v3  }
0xa2: {  	v3 =	vld [tilespmem:s8+$0x10];
	v2 =	vadd.s32 v0, v2;
	_ =	sdelay $0x4  }
0xa3: {  	[tilespmem:v2+s6+$0x0] =	vst.idx.add.f32.msk $0xffff, v3  }
0xa4: {  	[tilespmem:v2+s7+$0x0] =	vst.idx.add.f32.msk $0xffff, v1  }
0xa5: {  	v2 =	vld [tilespmem:s8+$0x420]  }
0xa6: {  	v3 =	vld [tilespmem:s8+$0x820];
	_ =	sdelay $0x3  }
0xa7: {  	v2 =	vshll.u32 v2, $0x5  }
0xa8: {  	v2 =	vadd.s32 v2, v3  }
0xa9: {  	v3 =	vld [tilespmem:s8+$0x20];
	v2 =	vadd.s32 v0, v2;
	_ =	sdelay $0x4  }
0xaa: {  	[tilespmem:v2+s6+$0x0] =	vst.idx.add.f32.msk $0xffff, v3  }
0xab: {  	[tilespmem:v2+s7+$0x0] =	vst.idx.add.f32.msk $0xffff, v1  }
0xac: {  	v2 =	vld [tilespmem:s8+$0x430]  }
0xad: {  	v3 =	vld [tilespmem:s8+$0x830];
	_ =	sdelay $0x3  }
0xae: {  	v2 =	vshll.u32 v2, $0x5  }
0xaf: {  	v2 =	vadd.s32 v2, v3  }
0xb0: {  	v3 =	vld [tilespmem:s8+$0x30];
	v2 =	vadd.s32 v0, v2  }
0xb1: {  	p0 =	sne.s32 s5, $0xF00  }
.Ltmp0:
0xb2: {  	_ = 	snop;
	(pc) =	sbr.rel @p0 .LBB2_1-.Ltmp0, $3  }
0xb3: {  	_ =	sdelay $0x1  }
0xb4: {  	[tilespmem:v2+s6+$0x0] =	vst.idx.add.f32.msk $0xffff, v3  }
0xb5: {  	s5 =	sadd.s32 $0x100, s5;
	[tilespmem:v2+s7+$0x0] =	vst.idx.add.f32.msk $0xffff, v1  }
0xb6: {  	v0 =	vld [tilespmem:$0xC00]  }
0xb7: {  	v1 =	vld [tilespmem:$0x1000]  }
0xb8: {  	v2 =	vld [tilespmem:$0xC40]  }
0xb9: {  	v3 =	vld [tilespmem:$0x1040]  }
0xba: {  	v4 =	vld [tilespmem:$0xC80]  }
0xbb: {  	v5 =	vld [tilespmem:$0x1080]  }
0xbc: {  	v6 =	vld [tilespmem:$0xCC0]  }
0xbd: {  	v7 =	vld [tilespmem:$0x10C0]  }
0xbe: {  	v8 =	vld [tilespmem:$0xD00]  }
0xbf: {  	v9 =	vld [tilespmem:$0x1100]  }
0xc0: {  	v10 =	vld [tilespmem:$0xD40]  }
0xc1: {  	v11 =	vld [tilespmem:$0x1140]  }
0xc2: {  	v12 =	vld [tilespmem:$0xD80]  }
0xc3: {  	v13 =	vld [tilespmem:$0x1180]  }
0xc4: {  	v14 =	vld [tilespmem:$0xDC0]  }
0xc5: {  	v15 =	vld [tilespmem:$0x11C0]  }
0xc6: {  	v17 =	vld [tilespmem:$0xE00]  }
0xc7: {  	v20 =	vld [tilespmem:$0x1200]  }
0xc8: {  	v23 =	vld [tilespmem:$0xE40]  }
0xc9: {  	v25 =	vld [tilespmem:$0x1240]  }
0xca: {  	v27 =	vld [tilespmem:$0xE80]  }
0xcb: {  	v28 =	vld [tilespmem:$0x1280]  }
0xcc: {  	v29 =	vld [tilespmem:$0xEC0]  }
0xcd: {  	v30 =	vld [tilespmem:$0x12C0]  }
0xce: {  	v31 =	vld [tilespmem:$0xF00]  }
0xcf: {  	v16 =	vld [tilespmem:$0x1300]  }
0xd0: {  	v36 =	vld [tilespmem:$0xF40]  }
0xd1: {  	v37 =	vld [tilespmem:$0x1340]  }
0xd2: {  	v38 =	vld [tilespmem:$0xF80]  }
0xd3: {  	v39 =	vld [tilespmem:$0x1380]  }
0xd4: {  	v40 =	vld [tilespmem:$0xFC0]  }
0xd5: {  	v41 =	vld [tilespmem:$0x13C0]  }
0xd6: {  	v32 =	vld [tilespmem:$0xC10]  }
0xd7: {  	v33 =	vld [tilespmem:$0x1010]  }
0xd8: {  	v34 =	vld [tilespmem:$0xC50]  }
0xd9: {  	v35 =	vld [tilespmem:$0x1050]  }
0xda: {  	v42 =	vld [tilespmem:$0xD50]  }
0xdb: {  	v43 =	vld [tilespmem:$0x1150]  }
0xdc: {  	v44 =	vld [tilespmem:$0xD90]  }
0xdd: {  	v45 =	vld [tilespmem:$0x1190]  }
0xde: {  	v46 =	vld [tilespmem:$0xDD0]  }
0xdf: {  	v47 =	vld [tilespmem:$0x11D0]  }
0xe0: {  	v48 =	vld [tilespmem:$0xE10]  }
0xe1: {  	v49 =	vld [tilespmem:$0x1210]  }
0xe2: {  	v50 =	vld [tilespmem:$0xE50]  }
0xe3: {  	v51 =	vld [tilespmem:$0x1250]  }
0xe4: {  	v52 =	vld [tilespmem:$0xE90]  }
0xe5: {  	v53 =	vld [tilespmem:$0x1290]  }
0xe6: {  	v54 =	vld [tilespmem:$0xED0]  }
0xe7: {  	v55 =	vld [tilespmem:$0x12D0]  }
0xe8: {  	v56 =	vld [tilespmem:$0xF10]  }
0xe9: {  	v57 =	vld [tilespmem:$0x1310]  }
0xea: {  	v58 =	vld [tilespmem:$0xF50]  }
0xeb: {  	v59 =	vld [tilespmem:$0x1350]  }
0xec: {  	v60 =	vld [tilespmem:$0xF90]  }
0xed: {  	v61 =	vld [tilespmem:$0x1390]  }
0xee: {  	v62 =	vld [tilespmem:$0xFD0]  }
0xef: {  	v63 =	vld [tilespmem:$0x13D0]  }
0xf0: {  	v18 =	vld [tilespmem:$0xC20]  }
0xf1: {  	v22 =	vld [tilespmem:$0x1020]  }
0xf2: {  	v19 =	vld [tilespmem:$0x1060]  }
0xf3: {  	v21 =	vld [tilespmem:$0xCA0]  }
0xf4: {  	v24 =	vld [tilespmem:$0x10A0]  }
0xf5: {  	v26 =	vld [tilespmem:$0xCE0]  }
0xf6: {  	[tilespmem:$0x1FFA0] =	vst v36;
	v36 =	vld [tilespmem:$0xC90]  }
0xf7: {  	[tilespmem:$0x1FFB0] =	vst v37;
	v37 =	vld [tilespmem:$0x1090]  }
0xf8: {  	[tilespmem:$0x1FFC0] =	vst v38;
	v38 =	vld [tilespmem:$0xCD0]  }
0xf9: {  	[tilespmem:$0x1FFD0] =	vst v39;
	v39 =	vld [tilespmem:$0x10D0]  }
0xfa: {  	[tilespmem:$0x1FFE0] =	vst v40;
	v40 =	vld [tilespmem:$0xD10]  }
0xfb: {  	[tilespmem:$0x1FFF0] =	vst v41;
	v41 =	vld [tilespmem:$0x1110]  }
0xfc: {  	[tilespmem:$0x1FF90] =	vst v16;
	v16 =	vld [tilespmem:$0xC60]  }
0xfd: {  	v0 =	vadd.f32 v2, v0;
	v2 =	vld [tilespmem:$0x10E0]  }
0xfe: {  	v1 =	vadd.f32 v3, v1;
	v3 =	vld [tilespmem:$0xD20]  }
0xff: {  	v0 =	vadd.f32 v4, v0;
	v4 =	vadd.f32 v34, v32;
	v32 =	vld [tilespmem:$0x1120]  }
0x100: {  	v1 =	vadd.f32 v5, v1;
	v5 =	vadd.f32 v35, v33;
	v33 =	vld [tilespmem:$0xD60]  }
0x101: {  	v34 =	vld [tilespmem:$0xFE0]  }
0x102: {  	v35 =	vld [tilespmem:$0x13E0]  }
0x103: {  	v0 =	vadd.f32 v6, v0;
	v6 =	vld [tilespmem:$0x1160]  }
0x104: {  	v1 =	vadd.f32 v7, v1;
	v7 =	vld [tilespmem:$0xDA0]  }
0x105: {  	v4 =	vadd.f32 v36, v4;
	v36 =	vld [tilespmem:$0xDB0]  }
0x106: {  	v5 =	vadd.f32 v37, v5;
	v37 =	vld [tilespmem:$0x11B0]  }
0x107: {  	v0 =	vadd.f32 v8, v0;
	v8 =	vld [tilespmem:$0x11A0]  }
0x108: {  	v1 =	vadd.f32 v9, v1;
	v9 =	vld [tilespmem:$0xDE0]  }
0x109: {  	v5 =	vadd.f32 v39, v5;
	v39 =	vld [tilespmem:$0xDF0]  }
0x10a: {  	v0 =	vadd.f32 v10, v0;
	v10 =	vld [tilespmem:$0x11E0]  }
0x10b: {  	v4 =	vadd.f32 v38, v4;
	v1 =	vadd.f32 v11, v1;
	v11 =	vld [tilespmem:$0xE20]  }
0x10c: {  	v5 =	vadd.f32 v41, v5;
	v41 =	vld [tilespmem:$0x11F0]  }
0x10d: {  	v4 =	vadd.f32 v40, v4;
	v0 =	vadd.f32 v12, v0;
	v12 =	vld [tilespmem:$0x1220]  }
0x10e: {  	v19 =	vadd.f32 v19, v22;
	v1 =	vadd.f32 v13, v1;
	v13 =	vld [tilespmem:$0xE60]  }
0x10f: {  	v4 =	vadd.f32 v42, v4;
	v42 =	vld [tilespmem:$0x1FF90]  }
0x110: {  	v19 =	vadd.f32 v24, v19;
	v5 =	vadd.f32 v43, v5;
	v43 =	vld [tilespmem:$0x1FFA0]  }
0x111: {  	v16 =	vadd.f32 v16, v18;
	v0 =	vadd.f32 v14, v0;
	v14 =	vld [tilespmem:$0x1260]  }
0x112: {  	v2 =	vadd.f32 v2, v19;
	v1 =	vadd.f32 v15, v1;
	v15 =	vld [tilespmem:$0xEA0]  }
0x113: {  	v16 =	vadd.f32 v21, v16;
	v4 =	vadd.f32 v44, v4;
	v44 =	vld [tilespmem:$0x1FFB0]  }
0x114: {  	v2 =	vadd.f32 v32, v2;
	v5 =	vadd.f32 v45, v5;
	v45 =	vld [tilespmem:$0xC30]  }
0x115: {  	v16 =	vadd.f32 v26, v16;
	v0 =	vadd.f32 v17, v0;
	v17 =	vld [tilespmem:$0x12A0]  }
0x116: {  	v2 =	vadd.f32 v6, v2;
	v1 =	vadd.f32 v20, v1;
	v20 =	vld [tilespmem:$0xEE0]  }
0x117: {  	v3 =	vadd.f32 v3, v16;
	v4 =	vadd.f32 v46, v4;
	v46 =	vld [tilespmem:$0x1FFC0]  }
0x118: {  	v2 =	vadd.f32 v8, v2;
	v5 =	vadd.f32 v47, v5;
	v47 =	vld [tilespmem:$0x1030]  }
0x119: {  	v0 =	vadd.f32 v23, v0;
	v23 =	vld [tilespmem:$0x12E0];
	v4 =	vadd.f32 v48, v4  }
0x11a: {  	v1 =	vadd.f32 v25, v1;
	v25 =	vld [tilespmem:$0xF20];
	v5 =	vadd.f32 v49, v5  }
0x11b: {  	v3 =	vadd.f32 v33, v3;
	v48 =	vld [tilespmem:$0x1FFD0];
	v4 =	vadd.f32 v50, v4  }
0x11c: {  	v2 =	vadd.f32 v10, v2;
	v49 =	vld [tilespmem:$0xC70];
	v5 =	vadd.f32 v51, v5  }
0x11d: {  	v0 =	vadd.f32 v27, v0;
	v27 =	vld [tilespmem:$0x1320];
	v4 =	vadd.f32 v52, v4  }
0x11e: {  	v1 =	vadd.f32 v28, v1;
	v28 =	vld [tilespmem:$0xF60];
	v5 =	vadd.f32 v53, v5  }
0x11f: {  	v3 =	vadd.f32 v7, v3;
	v50 =	vld [tilespmem:$0x1FFE0];
	v4 =	vadd.f32 v54, v4  }
0x120: {  	v2 =	vadd.f32 v12, v2;
	v51 =	vld [tilespmem:$0x1070];
	v5 =	vadd.f32 v55, v5  }
0x121: {  	v3 =	vadd.f32 v9, v3;
	v53 =	vld [tilespmem:$0xCB0];
	v4 =	vadd.f32 v56, v4  }
0x122: {  	v2 =	vadd.f32 v14, v2;
	v54 =	vld [tilespmem:$0x10B0];
	v5 =	vadd.f32 v57, v5  }
0x123: {  	v3 =	vadd.f32 v11, v3;
	v55 =	vld [tilespmem:$0xCF0];
	v4 =	vadd.f32 v58, v4  }
0x124: {  	v56 =	vadd.f32 v49, v45;
	v57 =	vld [tilespmem:$0x10F0];
	v5 =	vadd.f32 v59, v5  }
0x125: {  	v58 =	vadd.f32 v51, v47;
	v59 =	vld [tilespmem:$0xD30];
	v4 =	vadd.f32 v60, v4  }
0x126: {  	v21 =	vadd.f32 v53, v56;
	v5 =	vadd.f32 v61, v5;
	v60 =	vld [tilespmem:$0x1130]  }
0x127: {  	v18 =	vadd.f32 v54, v58;
	v61 =	vld [tilespmem:$0xD70];
	v4 =	vadd.f32 v62, v4  }
0x128: {  	v5 =	vadd.f32 v63, v5;
	v62 =	vadd.f32 v55, v21;
	v63 =	vld [tilespmem:$0x1170]  }
0x129: {  	v0 =	vadd.f32 v29, v0;
	v29 =	vld [tilespmem:$0x1360];
	v18 =	vadd.f32 v57, v18  }
0x12a: {  	v1 =	vadd.f32 v30, v1;
	v30 =	vld [tilespmem:$0xFA0];
	v16 =	vadd.f32 v59, v62  }
0x12b: {  	v2 =	vadd.f32 v17, v2;
	v52 =	vld [tilespmem:$0x1FFF0];
	v38 =	vadd.f32 v60, v18  }
0x12c: {  	v0 =	vadd.f32 v31, v0;
	v31 =	vld [tilespmem:$0x13A0];
	v40 =	vadd.f32 v61, v16  }
0x12d: {  	v1 =	vadd.f32 v42, v1;
	v42 =	vld [tilespmem:$0xE30];
	v6 =	vadd.f32 v63, v38  }
0x12e: {  	v0 =	vadd.f32 v43, v0;
	v43 =	vld [tilespmem:$0x1230];
	v7 =	vadd.f32 v36, v40  }
0x12f: {  	v1 =	vadd.f32 v44, v1;
	v44 =	vld [tilespmem:$0xE70];
	v6 =	vadd.f32 v37, v6  }
0x130: {  	v3 =	vadd.f32 v13, v3;
	v45 =	vld [tilespmem:$0x1270];
	v7 =	vadd.f32 v39, v7  }
0x131: {  	v0 =	vadd.f32 v46, v0;
	v46 =	vld [tilespmem:$0xEB0];
	v6 =	vadd.f32 v41, v6  }
0x132: {  	v2 =	vadd.f32 v23, v2;
	v47 =	vld [tilespmem:$0x12B0];
	v7 =	vadd.f32 v42, v7  }
0x133: {  	v1 =	vadd.f32 v48, v1;
	v48 =	vld [tilespmem:$0xEF0];
	v6 =	vadd.f32 v43, v6  }
0x134: {  	v3 =	vadd.f32 v15, v3;
	v49 =	vld [tilespmem:$0x12F0];
	v7 =	vadd.f32 v44, v7  }
0x135: {  	v0 =	vadd.f32 v50, v0;
	v50 =	vld [tilespmem:$0xF30];
	v6 =	vadd.f32 v45, v6  }
0x136: {  	v3 =	vadd.f32 v20, v3;
	v51 =	vld [tilespmem:$0x1330];
	v7 =	vadd.f32 v46, v7  }
0x137: {  	v1 =	vadd.f32 v52, v1;
	v52 =	vld [tilespmem:$0xF70];
	v6 =	vadd.f32 v47, v6  }
0x138: {  	v3 =	vadd.f32 v25, v3;
	v53 =	vld [tilespmem:$0x1370];
	v7 =	vadd.f32 v48, v7  }
0x139: {  	v2 =	vadd.f32 v27, v2;
	v54 =	vld [tilespmem:$0xFB0];
	v6 =	vadd.f32 v49, v6  }
0x13a: {  	v3 =	vadd.f32 v28, v3;
	v55 =	vld [tilespmem:$0x13B0];
	v7 =	vadd.f32 v50, v7  }
0x13b: {  	v2 =	vadd.f32 v29, v2;
	v56 =	vld [tilespmem:$0xFF0];
	v6 =	vadd.f32 v51, v6  }
0x13c: {  	[tilespmem:$0x1400] =	vst v0;
	v57 =	vadd.f32 v30, v3;
	v59 =	vld [tilespmem:$0x13F0];
	v58 =	vadd.f32 v52, v7  }
0x13d: {  	[tilespmem:$0x1440] =	vst v1;
	v60 =	vadd.f32 v31, v2;
	v61 =	vadd.f32 v53, v6  }
0x13e: {  	[tilespmem:$0x1410] =	vst v4;
	v0 =	vadd.f32 v34, v57;
	v3 =	vadd.f32 v54, v58  }
0x13f: {  	[tilespmem:$0x1450] =	vst v5;
	v1 =	vadd.f32 v35, v60;
	v2 =	vadd.f32 v55, v61  }
0x140: {  	[tilespmem:$0x1420] =	vst v0;
	v62 =	vadd.f32 v56, v3  }
0x141: {  	[tilespmem:$0x1460] =	vst v1;
	v63 =	vadd.f32 v59, v2  }
0x142: {  	[tilespmem:$0x1430] =	vst v62  }
0x143: {  	s4 =	sadd.s32 s4, s2;
	s5 =	simm.s32 $0x1400;
	[tilespmem:$0x1470] =	vst v63  }
0x144: {  	[spmem:s4] =	stream.linear.scatter [tilespmem:s5], [sflag:$0x1], $0x80, $0x38;
	[tilespmem:$0x1D80] =	vst v63  }
0x145: {  	s4 =	simm.s32 $0x1  }
0x146: {  	_ =	swait.ge [sflag:s4], $0x80  }
0x147: {  	[sflag:s4] =	ssyncset.done $0x0  }
0x148: {  	[sflag:s4] =	ssyncadd.s32 $0xFFFFFF80  }
0x149: {  	p0 =	sne.s32 s3, $0x0;
	[bflag:$0x0] =	sbarrier.arrive $0xFFFF  }
0x14a: {  	_ =	sfence.sel @p0 $0x180000  }
0x14b: {  	[bflag:$0x0] =	sbarrier.arrive @p0 $0xFFFF  }
0x14c: {  	_ =	strace @p0 $0x90000047  }
0x14d: {  	[bflag:$0x2] =	sbarrier.arrive @p0 $0xFFFF  }
0x14e: {  	_ =	shalt @p0  }
.LBB2_3:
0x14f: {  	s3 =	simm.s32 $0x1480  }
0x150: {  	[tilespmem:s3], [sflag:$0x1] =	stream.linear.gather [spmem:s2], $0x800, $0x38;
	[tilespmem:$0x1D80] =	vst v63  }
0x151: {  	_ =	swait.ge [sflag:s4], $0x800  }
0x152: {  	[sflag:s4] =	ssyncset.done $0x0  }
0x153: {  	[sflag:s4] =	ssyncadd.s32 $0xFFFFF800  }
0x154: {  	v0 =	vld [tilespmem:$0x1480]  }
0x155: {  	v1 =	vld [tilespmem:$0x14C0]  }
0x156: {  	v2 =	vld [tilespmem:$0x1500]  }
0x157: {  	v3 =	vld [tilespmem:$0x1540]  }
0x158: {  	v4 =	vld [tilespmem:$0x1580]  }
0x159: {  	v5 =	vld [tilespmem:$0x15C0]  }
0x15a: {  	v6 =	vld [tilespmem:$0x1600]  }
0x15b: {  	v7 =	vld [tilespmem:$0x1640]  }
0x15c: {  	v8 =	vld [tilespmem:$0x1680]  }
0x15d: {  	v9 =	vld [tilespmem:$0x16C0]  }
0x15e: {  	v10 =	vld [tilespmem:$0x1700]  }
0x15f: {  	v11 =	vld [tilespmem:$0x1740]  }
0x160: {  	v12 =	vld [tilespmem:$0x1780]  }
0x161: {  	v13 =	vld [tilespmem:$0x17C0]  }
0x162: {  	v14 =	vld [tilespmem:$0x1800]  }
0x163: {  	v15 =	vld [tilespmem:$0x1840]  }
0x164: {  	v16 =	vld [tilespmem:$0x1880]  }
0x165: {  	v17 =	vld [tilespmem:$0x18C0]  }
0x166: {  	v18 =	vld [tilespmem:$0x1900]  }
0x167: {  	v19 =	vld [tilespmem:$0x1940]  }
0x168: {  	v20 =	vld [tilespmem:$0x1980]  }
0x169: {  	v21 =	vld [tilespmem:$0x19C0]  }
0x16a: {  	v22 =	vld [tilespmem:$0x1A00]  }
0x16b: {  	v23 =	vld [tilespmem:$0x1A40]  }
0x16c: {  	v24 =	vld [tilespmem:$0x1A80]  }
0x16d: {  	v25 =	vld [tilespmem:$0x1AC0]  }
0x16e: {  	v26 =	vld [tilespmem:$0x1B00]  }
0x16f: {  	v27 =	vld [tilespmem:$0x1B40]  }
0x170: {  	v28 =	vld [tilespmem:$0x1B80]  }
0x171: {  	v29 =	vld [tilespmem:$0x1BC0]  }
0x172: {  	v30 =	vld [tilespmem:$0x1C00]  }
0x173: {  	v31 =	vld [tilespmem:$0x1C40]  }
0x174: {  	v32 =	vld [tilespmem:$0x1490]  }
0x175: {  	v33 =	vld [tilespmem:$0x14D0]  }
0x176: {  	v34 =	vld [tilespmem:$0x1510]  }
0x177: {  	v35 =	vld [tilespmem:$0x1550]  }
0x178: {  	v36 =	vld [tilespmem:$0x1590]  }
0x179: {  	v37 =	vld [tilespmem:$0x15D0]  }
0x17a: {  	v38 =	vld [tilespmem:$0x1610]  }
0x17b: {  	v46 =	vld [tilespmem:$0x1650]  }
0x17c: {  	v47 =	vld [tilespmem:$0x1690]  }
0x17d: {  	v48 =	vld [tilespmem:$0x16D0]  }
0x17e: {  	v49 =	vld [tilespmem:$0x1710]  }
0x17f: {  	v50 =	vld [tilespmem:$0x1750]  }
0x180: {  	v51 =	vld [tilespmem:$0x1790];
	v1 =	vadd.f32 v3, v1;
	v33 =	vadd.f32 v35, v33  }
0x181: {  	v52 =	vld [tilespmem:$0x17D0]  }
0x182: {  	v53 =	vld [tilespmem:$0x1810];
	v1 =	vadd.f32 v5, v1;
	v33 =	vadd.f32 v37, v33  }
0x183: {  	v54 =	vld [tilespmem:$0x1850]  }
0x184: {  	v56 =	vld [tilespmem:$0x1890];
	v1 =	vadd.f32 v7, v1;
	v3 =	vadd.f32 v46, v33  }
0x185: {  	v57 =	vld [tilespmem:$0x18D0]  }
0x186: {  	v58 =	vld [tilespmem:$0x1910];
	v1 =	vadd.f32 v9, v1;
	v3 =	vadd.f32 v48, v3  }
0x187: {  	v60 =	vld [tilespmem:$0x1950];
	v0 =	vadd.f32 v2, v0  }
0x188: {  	v61 =	vld [tilespmem:$0x1990];
	v1 =	vadd.f32 v11, v1;
	v55 =	vadd.f32 v50, v3  }
0x189: {  	v62 =	vld [tilespmem:$0x19D0];
	v0 =	vadd.f32 v4, v0  }
0x18a: {  	v63 =	vld [tilespmem:$0x1A10];
	v1 =	vadd.f32 v13, v1;
	v2 =	vadd.f32 v52, v55  }
0x18b: {  	v45 =	vld [tilespmem:$0x14E0];
	v59 =	vadd.f32 v34, v32;
	v0 =	vadd.f32 v6, v0  }
0x18c: {  	v46 =	vld [tilespmem:$0x1560];
	v1 =	vadd.f32 v15, v1;
	v2 =	vadd.f32 v54, v2  }
0x18d: {  	v39 =	vld [tilespmem:$0x1B10];
	v9 =	vadd.f32 v36, v59;
	v0 =	vadd.f32 v8, v0  }
0x18e: {  	v40 =	vld [tilespmem:$0x1B50];
	v1 =	vadd.f32 v17, v1;
	v2 =	vadd.f32 v57, v2  }
0x18f: {  	v34 =	vld [tilespmem:$0x1A50];
	v32 =	vadd.f32 v38, v9;
	v0 =	vadd.f32 v10, v0  }
0x190: {  	v41 =	vld [tilespmem:$0x1B90];
	v1 =	vadd.f32 v19, v1;
	v2 =	vadd.f32 v60, v2  }
0x191: {  	v38 =	vld [tilespmem:$0x1AD0];
	v4 =	vadd.f32 v46, v45;
	v8 =	vadd.f32 v47, v32  }
0x192: {  	v42 =	vld [tilespmem:$0x1BD0];
	v1 =	vadd.f32 v21, v1;
	v2 =	vadd.f32 v62, v2  }
0x193: {  	v43 =	vld [tilespmem:$0x1C10];
	v0 =	vadd.f32 v12, v0;
	v8 =	vadd.f32 v49, v8  }
0x194: {  	v44 =	vld [tilespmem:$0x1C50];
	v1 =	vadd.f32 v23, v1;
	v2 =	vadd.f32 v34, v2  }
0x195: {  	v37 =	vld [tilespmem:$0x1A20];
	v0 =	vadd.f32 v14, v0;
	v8 =	vadd.f32 v51, v8  }
0x196: {  	v7 =	vld [tilespmem:$0x16A0];
	v1 =	vadd.f32 v25, v1;
	v2 =	vadd.f32 v38, v2  }
0x197: {  	v36 =	vld [tilespmem:$0x1A90];
	v0 =	vadd.f32 v16, v0;
	v5 =	vadd.f32 v53, v8  }
0x198: {  	v48 =	vld [tilespmem:$0x15E0];
	v1 =	vadd.f32 v27, v1;
	v2 =	vadd.f32 v40, v2  }
0x199: {  	v11 =	vld [tilespmem:$0x17A0];
	v0 =	vadd.f32 v18, v0;
	v3 =	vadd.f32 v56, v5  }
0x19a: {  	v9 =	vld [tilespmem:$0x1820];
	v1 =	vadd.f32 v29, v1;
	v2 =	vadd.f32 v42, v2  }
0x19b: {  	v45 =	vld [tilespmem:$0x1BE0];
	v0 =	vadd.f32 v20, v0;
	v3 =	vadd.f32 v58, v3  }
0x19c: {  	v12 =	vld [tilespmem:$0x14A0];
	v1 =	vadd.f32 v31, v1;
	v2 =	vadd.f32 v44, v2  }
0x19d: {  	v13 =	vld [tilespmem:$0x18A0];
	v47 =	vadd.f32 v22, v0;
	v0 =	vimm.f32 $0.0e+00;
	v3 =	vadd.f32 v61, v3  }
0x19e: {  	v14 =	vld [tilespmem:$0x1520];
	vm1 =	vge.f32 v1, $1.000000000e+01;
	vm0 =	vge.f32 v2, $1.000000000e+01;
	v1 =	vmax.f32 v1, $1.000000000e+00  }
0x19f: {  	v49 =	vld [tilespmem:$0x1660];
	v50 =	vmax.f32 v2, $1.000000000e+00;
	(erf) = vrcp.f32 v1;
	v51 =	vsel vm1, $0x3F800000, v0  }
0x1a0: {  	v54 =	vld [tilespmem:$0x16E0];
	v3 =	vadd.f32 v63, v3;
	v52 =	vsel vm0, $0x3F800000, v0;
	(erf) = vrcp.f32 v50;
	(xrf2) =	vadd.scan.msk.f32 $0xffff, v51  }
0x1a1: {  	v16 =	vld [tilespmem:$0x1620];
	v53 =	vadd.f32 v24, v47;
	(xrf2) =	vadd.scan.msk.f32 $0xffff, v52  }
0x1a2: {  	v57 =	vld [tilespmem:$0x17E0];
	v55 =	vadd.f32 v36, v3  }
0x1a3: {  	v17 =	vld [tilespmem:$0x17B0];
	v2 =	vadd.f32 v26, v53  }
0x1a4: {  	v8 =	vld [tilespmem:$0x15A0];
	v1 =	vadd.f32 v39, v55  }
0x1a5: {  	v4 =	vadd.f32 v48, v4;
	v60 =	vld [tilespmem:$0x18E0];
	v2 =	vadd.f32 v28, v2  }
0x1a6: {  	v18 =	vld [tilespmem:$0x1AF0];
	v1 =	vadd.f32 v41, v1  }
0x1a7: {  	v19 =	vld [tilespmem:$0x1830];
	v4 =	vadd.f32 v49, v4;
	v2 =	vadd.f32 v30, v2  }
0x1a8: {  	v56 =	vld [tilespmem:$0x1760];
	v1 =	vadd.f32 v43, v1;
	v59 =	vpop (erf)  }
0x1a9: {  	v4 =	vadd.f32 v54, v4;
	v54 =	vld [tilespmem:$0x1870];
	v2 =	vmul.f32 v59, v2;
	v61 =	vpop (erf)  }
0x1aa: {  	v58 =	vld [tilespmem:$0x1860];
	v1 =	vmul.f32 v61, v1;
	v62, _, _ =	vpop (xrf2)  }
0x1ab: {  	v40 =	vld [tilespmem:$0x1570];
	(v2sf) =	vpush v62, $0xF;
	v32, _, _ =	vpop (xrf2);
	v33 =	vnsel vm1, $0x0, v2  }
0x1ac: {  	v39 =	vld [tilespmem:$0x14F0];
	(v2sf) =	vpush v32, $0xF;
	(xrf2) =	vadd.scan.msk.f32 $0xffff, v33;
	v35 =	vnsel vm0, $0x0, v1  }
0x1ad: {  	v22 =	vld [tilespmem:$0x1920];
	(xrf2) =	vadd.scan.msk.f32 $0xffff, v35  }
0x1ae: {  	v12 =	vadd.f32 v14, v12;
	v42 =	vld [tilespmem:$0x15F0]  }
0x1af: {  	v38 =	vld [tilespmem:$0x1A60]  }
0x1b0: {  	v8 =	vadd.f32 v8, v12;
	v44 =	vld [tilespmem:$0x1670]  }
0x1b1: {  	v47 =	vld [tilespmem:$0x16F0];
	v27 =	vadd.f32 v40, v39  }
0x1b2: {  	v8 =	vadd.f32 v16, v8;
	v16 =	vld [tilespmem:$0x1A70]  }
0x1b3: {  	v4 =	vadd.f32 v56, v4;
	v63 =	vld [tilespmem:$0x1960];
	v5 =	vadd.f32 v42, v27  }
0x1b4: {  	v50 =	vld [tilespmem:$0x1770]  }
0x1b5: {  	v4 =	vadd.f32 v57, v4;
	v57 =	vld [tilespmem:$0x18F0];
	v5 =	vadd.f32 v44, v5  }
0x1b6: {  	v52 =	vld [tilespmem:$0x17F0];
	v46, _, _ =	vpop (xrf2)  }
0x1b7: {  	v3 =	vld [tilespmem:$0x1720];
	v5 =	vadd.f32 v47, v5;
	(v2sf) =	vpush v46, $0xF;
	v48, _, _ =	vpop (xrf2)  }
0x1b8: {  	v36 =	vld [tilespmem:$0x19E0];
	(v2sf) =	vpush v48, $0xF  }
0x1b9: {  	v4 =	vadd.f32 v58, v4;
	v53 =	vld [tilespmem:$0x1530];
	v5 =	vadd.f32 v50, v5  }
0x1ba: {  	v51 =	vld [tilespmem:$0x14B0];
	s19 =	spop (v2sf)  }
0x1bb: {  	v4 =	vadd.f32 v60, v4;
	v60 =	vld [tilespmem:$0x1970];
	v5 =	vadd.f32 v52, v5;
	s20 =	spop (v2sf)  }
0x1bc: {  	v7 =	vadd.f32 v7, v8;
	v55 =	vld [tilespmem:$0x15B0];
	s2 =	sadd.f32 s20, s19  }
0x1bd: {  	v59 =	vld [tilespmem:$0x1630];
	v5 =	vadd.f32 v54, v5  }
0x1be: {  	v4 =	vadd.f32 v63, v4;
	v3 =	vadd.f32 v3, v7;
	v62 =	vld [tilespmem:$0x19F0];
	v56 =	vmov s2  }
0x1bf: {  	v41 =	vld [tilespmem:$0x1AE0];
	v6 =	vadd.f32 v53, v51;
	v5 =	vadd.f32 v57, v5;
	v58 =	vmax.f32 v56, $1.000000000e+00  }
0x1c0: {  	v4 =	vadd.f32 v36, v4;
	v3 =	vadd.f32 v11, v3;
	v61 =	vld [tilespmem:$0x16B0];
	(erf) = vrcp.f32 v58  }
0x1c1: {  	v43 =	vld [tilespmem:$0x1B60];
	v6 =	vadd.f32 v55, v6;
	v5 =	vadd.f32 v60, v5  }
0x1c2: {  	v63 =	vld [tilespmem:$0x1730];
	v4 =	vadd.f32 v38, v4;
	v3 =	vadd.f32 v9, v3  }
0x1c3: {  	v34 =	vld [tilespmem:$0x19A0];
	v6 =	vadd.f32 v59, v6;
	v5 =	vadd.f32 v62, v5  }
0x1c4: {  	v21 =	vld [tilespmem:$0x1B70];
	v3 =	vadd.f32 v13, v3;
	v4 =	vadd.f32 v41, v4  }
0x1c5: {  	v49 =	vld [tilespmem:$0x1C60];
	v6 =	vadd.f32 v61, v6;
	v5 =	vadd.f32 v16, v5  }
0x1c6: {  	v26 =	vld [tilespmem:$0x1BF0];
	v3 =	vadd.f32 v22, v3;
	v4 =	vadd.f32 v43, v4;
	s21 =	spop (v2sf)  }
0x1c7: {  	v6 =	vadd.f32 v63, v6;
	v5 =	vadd.f32 v18, v5;
	s22 =	spop (v2sf)  }
0x1c8: {  	v24 =	vld [tilespmem:$0x18B0];
	v3 =	vadd.f32 v34, v3;
	v4 =	vadd.f32 v45, v4;
	s3 =	sadd.f32 s22, s21  }
0x1c9: {  	v29 =	vld [tilespmem:$0x1C70];
	v6 =	vadd.f32 v17, v6;
	v5 =	vadd.f32 v21, v5;
	v23 =	vpop (erf)  }
0x1ca: {  	v28 =	vld [tilespmem:$0x1930];
	v3 =	vadd.f32 v37, v3;
	v4 =	vadd.f32 v49, v4;
	v12 =	vmul.f32 s3, v23  }
0x1cb: {  	v6 =	vadd.f32 v19, v6;
	v5 =	vadd.f32 v26, v5  }
0x1cc: {  	v30 =	vld [tilespmem:$0x19B0];
	vm14 =	vge.f32 v4, $1.000000000e+01;
	v32 =	vadd.f32 $-1.000000000e+00, v56;
	v2 =	vsub.f32 v2, v12  }
0x1cd: {  	v4 =	vmax.f32 v4, $1.000000000e+00;
	v6 =	vadd.f32 v24, v6;
	v1 =	vsub.f32 v1, v12  }
0x1ce: {  	v33 =	vld [tilespmem:$0x1A30];
	v5 =	vadd.f32 v29, v5;
	v35 =	vmax.f32 v32, $1.000000000e+00;
	v2 =	vmul.f32 v2, v2  }
0x1cf: {  	v34 =	vld [tilespmem:$0x1AA0];
	v6 =	vadd.f32 v28, v6;
	(erf) = vrcp.f32 v35;
	v1 =	vmul.f32 v1, v1  }
0x1d0: {  	v36 =	vld [tilespmem:$0x1AB0];
	v39 =	vmax.f32 v5, $1.000000000e+00;
	(erf) = vrcp.f32 v4;
	v2 =	vnsel vm1, $0x0, v2  }
0x1d1: {  	v37 =	vld [tilespmem:$0x1B20];
	v6 =	vadd.f32 v30, v6;
	(erf) = vrcp.f32 v39;
	v1 =	vnsel vm0, $0x0, v1;
	(xrf2) =	vadd.scan.msk.f32 $0xffff, v2  }
0x1d2: {  	v38 =	vld [tilespmem:$0x1B30];
	v40 =	vsel vm14, $0x3F800000, v0;
	vm15 =	vge.f32 v5, $1.000000000e+01;
	(xrf2) =	vadd.scan.msk.f32 $0xffff, v1  }
0x1d3: {  	v41 =	vld [tilespmem:$0x1BA0];
	v0 =	vsel vm15, $0x3F800000, v0;
	v2 =	vadd.f32 v33, v6;
	(xrf2) =	vadd.scan.msk.f32 $0xffff, v40  }
0x1d4: {  	v42 =	vld [tilespmem:$0x1BB0];
	v1 =	vadd.f32 v34, v3;
	(xrf2) =	vadd.scan.msk.f32 $0xffff, v0  }
0x1d5: {  	v43 =	vld [tilespmem:$0x1C20];
	v2 =	vadd.f32 v36, v2  }
0x1d6: {  	v44 =	vld [tilespmem:$0x1C30];
	v1 =	vadd.f32 v37, v1  }
0x1d7: {  	v2 =	vadd.f32 v38, v2  }
0x1d8: {  	v47 =	vpop (erf);
	v1 =	vadd.f32 v41, v1  }
0x1d9: {  	v48 =	vpop (erf);
	v2 =	vadd.f32 v42, v2  }
0x1da: {  	v49 =	vpop (erf);
	v0 =	vadd.f32 v43, v1  }
0x1db: {  	v2 =	vadd.f32 v44, v2;
	v45, _, _ =	vpop (xrf2)  }
0x1dc: {  	v0 =	vmul.f32 v48, v0;
	v46, _, _ =	vpop (xrf2);
	(v2sf) =	vpush v45, $0xF  }
0x1dd: {  	v1 =	vmul.f32 v49, v2;
	(v2sf) =	vpush v46, $0xF;
	v50, _, _ =	vpop (xrf2)  }
0x1de: {  	v52 =	vnsel vm14, $0x0, v0;
	(v2sf) =	vpush v50, $0xF;
	v51, _, _ =	vpop (xrf2)  }
0x1df: {  	(xrf2) =	vadd.scan.msk.f32 $0xffff, v52;
	v53 =	vnsel vm15, $0x0, v1;
	(v2sf) =	vpush v51, $0xF  }
0x1e0: {  	(xrf2) =	vadd.scan.msk.f32 $0xffff, v53;
	_ =	sdelay $0x8  }
0x1e1: {  	v54, _, _ =	vpop (xrf2)  }
0x1e2: {  	(v2sf) =	vpush v54, $0xF;
	v55, _, _ =	vpop (xrf2)  }
0x1e3: {  	s23 =	spop (v2sf);
	(v2sf) =	vpush v55, $0xF  }
0x1e4: {  	s24 =	spop (v2sf)  }
0x1e5: {  	s5 =	spop (v2sf)  }
0x1e6: {  	s6 =	spop (v2sf)  }
0x1e7: {  	s5 =	sadd.f32 s6, s5;
	_ =	sdelay $0x1  }
0x1e8: {  	v56 =	vmov s5  }
0x1e9: {  	v57 =	vmax.f32 v56, $1.000000000e+00  }
0x1ea: {  	(erf) = vrcp.f32 v57;
	_ =	sdelay $0x5  }
0x1eb: {  	s25 =	spop (v2sf)  }
0x1ec: {  	s7 =	spop (v2sf)  }
0x1ed: {  	s6 =	sadd.f32 s7, s25  }
0x1ee: {  	v4 =	vpop (erf)  }
0x1ef: {  	v4 =	vmul.f32 s6, v4;
	_ =	sdelay $0x1  }
0x1f0: {  	v0 =	vsub.f32 v0, v4  }
0x1f1: {  	v1 =	vsub.f32 v1, v4  }
0x1f2: {  	v0 =	vmul.f32 v0, v0  }
0x1f3: {  	v1 =	vmul.f32 v1, v1  }
0x1f4: {  	v0 =	vnsel vm14, $0x0, v0  }
0x1f5: {  	v58 =	vnsel vm15, $0x0, v1;
	(xrf2) =	vadd.scan.msk.f32 $0xffff, v0  }
0x1f6: {  	(xrf2) =	vadd.scan.msk.f32 $0xffff, v58;
	_ =	sdelay $0x8  }
0x1f7: {  	v59, _, _ =	vpop (xrf2)  }
0x1f8: {  	(v2sf) =	vpush v59, $0xF;
	v60, _, _ =	vpop (xrf2)  }
0x1f9: {  	(v2sf) =	vpush v60, $0xF;
	_ =	sdelay $0x4  }
0x1fa: {  	v61 =	vadd.f32 $-1.000000000e+00, v56;
	_ =	sdelay $0x1  }
0x1fb: {  	v0 =	vmax.f32 v61, $1.000000000e+00  }
0x1fc: {  	(erf) = vrcp.f32 v0;
	_ =	sdelay $0x5  }
0x1fd: {  	s26 =	spop (v2sf)  }
0x1fe: {  	s3 =	sadd.f32 s24, s23;
	s28 =	spop (v2sf)  }
0x1ff: {  	s4 =	sadd.f32 s28, s26  }
0x200: {  	v0 =	vpop (erf)  }
0x201: {  	v62 =	vmul.f32 s3, v47;
	v0 =	vmul.f32 s4, v0;
	_ =	sdelay $0x1  }
0x202: {  	v63 =	vadd.f32 v0, v62;
	_ =	sdelay $0x1  }
0x203: {  	p0 =	sge.f32 s2, $2.000000000e+00;
	v2 =	vmul.f32 $5.000000000e-01, v63  }
0x204: {  	p1 =	sge.f32 s5, $2.000000000e+00  }
0x205: {  	v1 =	vpsel !p0, $0x0, v62;
	v0 =	vpsel p0, v2, v0  }
0x206: {  	v0 =	vpsel p1, v0, v1  }
0x207: {  	s29 =	simm.s32 $0x0;
	s30 =	simm.s32 $0x1C80;
	s31 =	simm.s32 $0x4;
	[tilespmem:$0x1C80] =	vst v0  }
0x208: {  	[hbm4b:s1+s29] =	stream.linear.scatter [tilespmem:s30], [sflag:$0x4], $0x80, $0x38;
	[tilespmem:$0x1D80] =	vst v63  }
0x209: {  	_ =	swait.ge [sflag:s31], $0x80  }
0x20a: {  	[sflag:s31] =	ssyncset.done $0x0  }
0x20b: {  	[sflag:s31] =	ssyncadd.s32 $0xFFFFFF80  }
0x20c: {  	_ =	sfence.sel $0x180000  }
0x20d: {  	[bflag:$0x0] =	sbarrier.arrive $0xFFFF  }
0x20e: {  	_ =	strace $0x90000047  }
0x20f: {  	s0 =	sadd.s32 $0x100000, s0;
	[bflag:$0x2] =	sbarrier.arrive $0xFFFF  }
0x210: {  	[sflag:s0] =	ssyncadd.tile.s32 $0x1;
	_ =	shalt  }
.Lfunc_end2:
_tile_overlayer_lowered:
.L_overlay_start_2:
0x211: {  	(tag) =	ssettag $0x2  }
0x212: {  	s0 =	rddreg [dreg:$0x0];
	s2 =	stileid.u32  }
0x213: {  	s1 =	rddreg [dreg:$0x1];
	p0 =	sne.s32 s2, $0x0  }
0x214: {  	s3 =	rddreg [dreg:$0x2];
	[bflag:$0x3] =	sbarrier.arrive $0xFFFF;
	s2 =	simm.s32 @!p0 $0x1C04  }
0x215: {  	[timem:s3], [sflag:s2] =	dma.local @!p0 [hbm:s0], s1  }
0x216: {  	s0 =	simm.s32 @!p0 $0x4  }
0x217: {  	_ =	swait.ge @!p0 [sflag:s0], s1  }
0x218: {  	s1 =	ssub.s32 @!p0 $0x0, s1;
	[sflag:s0] =	ssyncset.done @!p0 $0x0  }
0x219: {  	[sflag:s0] =	ssyncadd.s32 @!p0 s1  }
0x21a: {  	[bflag:$0x3] =	sbarrier.arrive $0xFFFF  }
0x21b: {  	_ =	shalt  }

</sc_bundles>
